<compile_context>
chip_gen: v7x
topology: tpu7x:2x2x1
jax: 0.10.2.dev20260603
libtpu: 0.0.44.dev20260713+nightly
codegen_flags: <defaults>
</compile_context>

<pallas_src>
import functools

import jax
import jax.numpy as jnp
from jax import lax
from jax.experimental import pallas as pl
from jax.experimental.pallas import tpu as pltpu
from jax.experimental.pallas import tpu_sc as plsc

N = 10000
E = 320000
H = 128

NP = 10240
EP = 327680

NC = 2
NS = 16
NW = NC * NS
CH = 128
EPW = EP // NW
NCHUNK = EPW // CH
NACC = 10112
RPS = NACC // NS

RB = 2048


def _dot(a, b):
    return jnp.dot(a, b, preferred_element_type=jnp.float32)



def _tc1_body(x_ref, wa_ref, ba_ref, wb_ref, bb_ref, o_ref):
    h = jnp.maximum(_dot(x_ref[...], wa_ref[...]) + ba_ref[...], 0.0)
    o_ref[...] = _dot(h, wb_ref[...]) + bb_ref[...]


def _tc2_body(x_ref, a0_ref, a1_ref, ux_ref, ua_ref, ub_ref,
              wa_ref, ba_ref, wb_ref, bb_ref, h1_ref, m2_ref):
    a = a0_ref[0] + a1_ref[0]
    h1 = jnp.maximum(_dot(x_ref[...], ux_ref[...]) + _dot(a, ua_ref[...])
                     + ub_ref[...], 0.0)
    h1_ref[...] = h1
    h = jnp.maximum(_dot(h1, wa_ref[...]) + ba_ref[...], 0.0)
    m2_ref[...] = _dot(h, wb_ref[...]) + bb_ref[...]


def _tc3_body(h1_ref, a0_ref, a1_ref, ux_ref, ua_ref, ub_ref,
              wo_ref, bo_ref, o_ref):
    a = a0_ref[0] + a1_ref[0]
    h2 = jnp.maximum(_dot(h1_ref[...], ux_ref[...]) + _dot(a, ua_ref[...])
                     + ub_ref[...], 0.0)
    o_ref[...] = _dot(h2, wo_ref[...]) + bo_ref[...]


def _full(shape):
    return pl.BlockSpec(shape, lambda i: (0,) * len(shape))


def _tc1(x_pad, wa, ba, wb, bb):
    return pl.pallas_call(
        _tc1_body,
        grid=(NP // RB,),
        in_specs=[
            pl.BlockSpec((RB, 256), lambda i: (i, 0)),
            _full((256, H)), _full((1, H)), _full((H, H)), _full((1, H)),
        ],
        out_specs=pl.BlockSpec((RB, H), lambda i: (i, 0)),
        out_shape=jax.ShapeDtypeStruct((NP, H), jnp.float32),
    )(x_pad, wa, ba, wb, bb)


def _tc2(x_pad, aggr, ux, ua, ub, wa, ba, wb, bb):
    return pl.pallas_call(
        _tc2_body,
        grid=(NP // RB,),
        in_specs=[
            pl.BlockSpec((RB, 256), lambda i: (i, 0)),
            pl.BlockSpec((1, RB, H), lambda i: (0, i, 0)),
            pl.BlockSpec((1, RB, H), lambda i: (1, i, 0)),
            _full((256, H)), _full((H, H)), _full((1, H)),
            _full((H, H)), _full((1, H)), _full((H, H)), _full((1, H)),
        ],
        out_specs=[
            pl.BlockSpec((RB, H), lambda i: (i, 0)),
            pl.BlockSpec((RB, H), lambda i: (i, 0)),
        ],
        out_shape=[
            jax.ShapeDtypeStruct((NP, H), jnp.float32),
            jax.ShapeDtypeStruct((NP, H), jnp.float32),
        ],
    )(x_pad, aggr, aggr, ux, ua, ub, wa, ba, wb, bb)


def _tc3(h1, aggr, ux, ua, ub, wo, bo):
    return pl.pallas_call(
        _tc3_body,
        grid=(NP // RB,),
        in_specs=[
            pl.BlockSpec((RB, H), lambda i: (i, 0)),
            pl.BlockSpec((1, RB, H), lambda i: (0, i, 0)),
            pl.BlockSpec((1, RB, H), lambda i: (1, i, 0)),
            _full((H, H)), _full((H, H)), _full((1, H)),
            _full((H, H)), _full((1, H)),
        ],
        out_specs=pl.BlockSpec((RB, H), lambda i: (i, 0)),
        out_shape=jax.ShapeDtypeStruct((NP, H), jnp.float32),
    )(h1, aggr, aggr, ux, ua, ub, wo, bo)



def _sc_aggregate(msg, src, dst):
    mesh = plsc.VectorSubcoreMesh(core_axis_name="c", subcore_axis_name="s",
                                  num_cores=NC, num_subcores=NS)

    @functools.partial(
        pl.kernel,
        out_type=jax.ShapeDtypeStruct((NC, NP, H), jnp.float32),
        mesh=mesh,
        scratch_types=[
            [pltpu.VMEM((CH,), jnp.int32)] * 3,
            [pltpu.VMEM((CH,), jnp.int32)] * 3,
            [pltpu.VMEM((CH, H), jnp.float32)] * 3,
            pltpu.VMEM_SHARED((NACC, H), jnp.float32),
            [pltpu.SemaphoreType.DMA] * 3,
            [pltpu.SemaphoreType.DMA] * 3,
            [pltpu.SemaphoreType.DMA] * 3,
        ],
    )
    def k(msg_hbm, src_hbm, dst_hbm, out_hbm, sidx, didx, rows, acc, sem,
          isem, dsem):
        cid = lax.axis_index("c")
        sid = lax.axis_index("s")
        wid = cid * NS + sid

        @pl.loop(0, CH)
        def _(i):
            @pl.loop(0, H, step=16)
            def _(j):
                rows[0][i, pl.ds(j, 16)] = jnp.zeros((16,), jnp.float32)

        rbase = sid * RPS
        for r in range(RPS // CH):
            pltpu.sync_copy(rows[0], acc.at[pl.ds(rbase + r * CH, CH)])
        rem = RPS % CH
        if rem:
            pltpu.sync_copy(rows[0].at[pl.ds(0, rem)],
                            acc.at[pl.ds(rbase + (RPS // CH) * CH, rem)])
        plsc.subcore_barrier()

        cbase = wid * NCHUNK

        def pidx(ci, b):
            pltpu.async_copy(src_hbm.at[ci], sidx[b], isem[b])
            pltpu.async_copy(dst_hbm.at[ci], didx[b], dsem[b])

        def gat(ci, b):
            pltpu.make_async_copy(src_hbm.at[ci], sidx[b], isem[b]).wait()
            pltpu.async_copy(msg_hbm.at[sidx[b]], rows[b], sem[b])

        def fin(ci, b):
            pltpu.make_async_copy(msg_hbm.at[sidx[b]], rows[b], sem[b]).wait()
            pltpu.make_async_copy(dst_hbm.at[ci], didx[b], dsem[b]).wait()
            pltpu.sync_copy(rows[b], acc.at[didx[b]], add=True)

        pidx(cbase, 0)
        pidx(cbase + 1, 1)
        gat(cbase, 0)

        @pl.loop(0, NCHUNK - 2, step=3)
        def _(ci):
            pidx(cbase + ci + 2, 2)
            gat(cbase + ci + 1, 1)
            fin(cbase + ci, 0)
            pidx(cbase + ci + 3, 0)
            gat(cbase + ci + 2, 2)
            fin(cbase + ci + 1, 1)
            pidx(cbase + ci + 4, 1)
            gat(cbase + ci + 3, 0)
            fin(cbase + ci + 2, 2)

        gat(cbase + NCHUNK - 1, 1)
        fin(cbase + NCHUNK - 2, 0)
        fin(cbase + NCHUNK - 1, 1)

        plsc.subcore_barrier()
        pltpu.sync_copy(acc.at[pl.ds(rbase, RPS)],
                        out_hbm.at[cid, pl.ds(rbase, RPS)])

    return k(msg, src, dst)



def kernel(x, edge_index, noise, W1a, b1a, W1b, b1b, U1, u1b,
           W2a, b2a, W2b, b2b, U2, u2b, Wo, bo):
    f32 = jnp.float32
    in1 = x.shape[1] + noise.shape[1]

    xw = jnp.concatenate([x, noise], axis=1)
    x_pad = jnp.zeros((NP, 256), f32).at[:N, :in1].set(xw)

    pad = jnp.arange(EP - E, dtype=jnp.int32)
    src = jnp.concatenate([edge_index[0], pad % N])
    dst = jnp.concatenate([edge_index[1], N + pad % (NACC - N)])
    src = src.reshape(NW * NCHUNK, CH)
    dst = dst.reshape(NW * NCHUNK, CH)

    w1a = jnp.zeros((256, H), f32).at[:in1].set(W1a)
    u1x = jnp.zeros((256, H), f32).at[:in1].set(U1[:in1])
    u1a = U1[in1:]
    u2x = U2[:H]
    u2a = U2[H:]
    wo = jnp.zeros((H, H), f32).at[:, :1].set(Wo)
    bo_pad = jnp.zeros((1, H), f32).at[0, 0].set(bo[0])
    r = lambda b: b.reshape(1, H)

    msg1 = _tc1(x_pad, w1a, r(b1a), W1b, r(b1b))
    aggr1 = _sc_aggregate(msg1, src, dst)
    h1, msg2 = _tc2(x_pad, aggr1, u1x, u1a, r(u1b), W2a, r(b2a), W2b, r(b2b))
    aggr2 = _sc_aggregate(msg2, src, dst)
    out = _tc3(h1, aggr2, u2x, u2a, r(u2b), wo, bo_pad)
    return out[:N, :1]

# --- scband reference (transcript-rebuilt; emitter-appended) ---
"""Pipeline reference for scband-gnn-ncm-14542759264927 (READ-ONLY COPY).

The authoritative reference and input builder live on the scoring server;
editing this copy changes nothing except your own understanding.
"""

import jax, jax.numpy as jnp
import numpy as np

N = 10000
E = 320000
F = 128
H = 128
O = 128
NZ = 4


def setup_inputs(seed: int = 0) -> dict:
    key = jax.random.key(seed)
    ks = jax.random.split(key, 20)
    inp = {}
    inp["x"] = jax.random.normal(ks[0], (N, F), dtype=jnp.float32)
    inp["edge_index"] = jax.random.randint(ks[1], (2, E), 0, N, dtype=jnp.int32)
    # noise is generated inside the torch forward; materialize it deterministically here
    inp["noise"] = jax.random.normal(ks[2], (N, NZ), dtype=jnp.float32)
    in1 = F + NZ  # 132
    # conv1 shared_mlp + update_mlp
    inp["W1a"] = jax.random.normal(ks[3], (in1, H), dtype=jnp.float32) * 0.05
    inp["b1a"] = jnp.zeros((H,), dtype=jnp.float32)
    inp["W1b"] = jax.random.normal(ks[4], (H, H), dtype=jnp.float32) * 0.05
    inp["b1b"] = jnp.zeros((H,), dtype=jnp.float32)
    inp["U1"] = jax.random.normal(ks[5], (in1 + H, H), dtype=jnp.float32) * 0.05
    inp["u1b"] = jnp.zeros((H,), dtype=jnp.float32)
    # conv2 shared_mlp + update_mlp
    inp["W2a"] = jax.random.normal(ks[6], (H, H), dtype=jnp.float32) * 0.05
    inp["b2a"] = jnp.zeros((H,), dtype=jnp.float32)
    inp["W2b"] = jax.random.normal(ks[7], (H, O), dtype=jnp.float32) * 0.05
    inp["b2b"] = jnp.zeros((O,), dtype=jnp.float32)
    inp["U2"] = jax.random.normal(ks[8], (H + O, O), dtype=jnp.float32) * 0.05
    inp["u2b"] = jnp.zeros((O,), dtype=jnp.float32)
    # output linear
    inp["Wo"] = jax.random.normal(ks[9], (O, 1), dtype=jnp.float32) * 0.05
    inp["bo"] = jnp.zeros((1,), dtype=jnp.float32)
    return inp


def _conv(x_in, edge_index, Wa, ba, Wb, bb, U, ub):
    # MessagePassing(aggr='add', flow='source_to_target')
    src = edge_index[0]
    dst = edge_index[1]
    x_j = jnp.take(x_in, src, axis=0)
    # shared_mlp: Linear -> ReLU -> Linear
    msg = jnp.maximum(x_j @ Wa + ba, 0.0) @ Wb + bb
    # scatter-add aggregation over destination nodes
    aggr = jax.ops.segment_sum(msg, dst, num_segments=N)
    # update_mlp: Linear(in+out -> out) -> ReLU
    return jnp.maximum(jnp.concatenate([x_in, aggr], axis=-1) @ U + ub, 0.0)


def reference(x, edge_index, noise, W1a, b1a, W1b, b1b, U1, u1b, W2a, b2a, W2b, b2b, U2, u2b, Wo, bo):
    x_with_noise = jnp.concatenate([x, noise], axis=1)
    h = jnp.maximum(_conv(x_with_noise, edge_index, W1a, b1a, W1b, b1b, U1, u1b), 0.0)
    h = jnp.maximum(_conv(h, edge_index, W2a, b2a, W2b, b2b, U2, u2b), 0.0)
    return h @ Wo + bo


if False:  # reference __main__ guard neutralized (emitter)
    out = reference(**setup_inputs())
    print(out.shape, out.dtype)

if __name__ == "__main__":
    import jax
    _d = setup_inputs()
    print(jax.jit(kernel)(*tuple(_d.values())))

</pallas_src>

<mosaic_0001>
#map = affine_map<(d0, d1) -> (0, 0)>
#map1 = affine_map<(d0, d1) -> (0, 0, 0)>
module attributes {stable_mosaic.version = 14 : i64} {
  func.func @k(%arg0: i32, %arg1: i32, %arg2: memref<10240x128xf32, #tpu.memory_space<hbm>>, %arg3: memref<2560x128xi32, #tpu.memory_space<hbm>>, %arg4: memref<2560x128xi32, #tpu.memory_space<hbm>>, %arg5: memref<2x10240x128xf32, #tpu.memory_space<hbm>>, %arg6: memref<128xi32, #tpu.memory_space<vmem>>, %arg7: memref<128xi32, #tpu.memory_space<vmem>>, %arg8: memref<128xi32, #tpu.memory_space<vmem>>, %arg9: memref<128xi32, #tpu.memory_space<vmem>>, %arg10: memref<128xi32, #tpu.memory_space<vmem>>, %arg11: memref<128xi32, #tpu.memory_space<vmem>>, %arg12: memref<128x128xf32, #tpu.memory_space<vmem>>, %arg13: memref<128x128xf32, #tpu.memory_space<vmem>>, %arg14: memref<128x128xf32, #tpu.memory_space<vmem>>, %arg15: memref<10112x128xf32, #tpu.memory_space<vmem_shared>>, %arg16: memref<!tpu.dma_semaphore, #tpu.memory_space<semaphore_mem>>, %arg17: memref<!tpu.dma_semaphore, #tpu.memory_space<semaphore_mem>>, %arg18: memref<!tpu.dma_semaphore, #tpu.memory_space<semaphore_mem>>, %arg19: memref<!tpu.dma_semaphore, #tpu.memory_space<semaphore_mem>>, %arg20: memref<!tpu.dma_semaphore, #tpu.memory_space<semaphore_mem>>, %arg21: memref<!tpu.dma_semaphore, #tpu.memory_space<semaphore_mem>>, %arg22: memref<!tpu.dma_semaphore, #tpu.memory_space<semaphore_mem>>, %arg23: memref<!tpu.dma_semaphore, #tpu.memory_space<semaphore_mem>>, %arg24: memref<!tpu.dma_semaphore, #tpu.memory_space<semaphore_mem>>) attributes {dimension_semantics = [#tpu.dimension_semantics<core_parallel>, #tpu.dimension_semantics<subcore_parallel>], iteration_bounds = array<i64: 2, 16>, scalar_prefetch = 0 : i64, scratch_operands = 19 : i64, tpu.core_type = #tpu.core_type<sc_vector_subcore>, window_params = [{transform_indices = #map}, {transform_indices = #map}, {transform_indices = #map}, {transform_indices = #map1}]} {
    %mul3A = arith.constant 16 : i32
    %mul3A_0 = arith.muli %arg0, %mul3A : i32
    %add3A = arith.addi %mul3A_0, %arg1 : i32
    %scan3A = arith.constant 0 : i32
    %scan3A_1 = arith.constant 128 : i32
    %scan3A_2 = arith.addi %scan3A, %scan3A_1 : i32
    %scan3A_3 = arith.constant 1 : i32
    scf.for %scan3A_96 = %scan3A to %scan3A_2 step %scan3A_3  : i32 {
      %mul3A_97 = arith.constant 1 : i32
      %mul3A_98 = arith.muli %scan3A_96, %mul3A_97 : i32
      %add3A_99 = arith.constant 0 : i32
      %add3A_100 = arith.addi %add3A_99, %mul3A_98 : i32
      %scan3A_101 = arith.constant 0 : i32
      %scan3A_102 = arith.constant 8 : i32
      %scan3A_103 = arith.addi %scan3A_101, %scan3A_102 : i32
      %scan3A_104 = arith.constant 1 : i32
      scf.for %scan3A_106 = %scan3A_101 to %scan3A_103 step %scan3A_104  : i32 {
        %mul3A_107 = arith.constant 16 : i32
        %mul3A_108 = arith.muli %scan3A_106, %mul3A_107 : i32
        %add3A_109 = arith.constant 0 : i32
        %add3A_110 = arith.addi %add3A_109, %mul3A_108 : i32
        %broadcast_in_dim3A = arith.constant 0.000000e+00 : f32
        %broadcast_in_dim3A_111 = vector.broadcast %broadcast_in_dim3A : f32 to vector<16xf32>
        %swap3A = arith.index_cast %add3A_100 : i32 to index
        %swap3A_112 = arith.index_cast %add3A_110 : i32 to index
        %swap3A_113 = tpu.vector_load %arg12[%swap3A, %swap3A_112] {strides = array<i32>} : memref<128x128xf32, #tpu.memory_space<vmem>>, vector<1x16xf32>,
        %swap3A_114 = vector.shape_cast %swap3A_113 : vector<1x16xf32> to vector<16xf32>
        %swap3A_115 = vector.shape_cast %broadcast_in_dim3A_111 : vector<16xf32> to vector<1x16xf32>
        tpu.vector_store %arg12[%swap3A, %swap3A_112], %swap3A_115 {strides = array<i32>} : memref<128x128xf32, #tpu.memory_space<vmem>>, vector<1x16xf32>,
      }
      %scan3A_105 = arith.constant 8 : i32
    }
    %scan3A_4 = arith.constant 128 : i32
    %mul3A_5 = arith.constant 632 : i32
    %mul3A_6 = arith.muli %arg1, %mul3A_5 : i32
    %add3A_7 = arith.constant 0 : i32
    %add3A_8 = arith.addi %mul3A_6, %add3A_7 : i32
    "tpu.region"() ({
      %run_scoped3A = tpu.sem_alloc : memref<!tpu.dma_semaphore, #tpu.memory_space<semaphore_mem>>
      %dma_start3A_96 = arith.constant 0 : i32
      %dma_start3A_97 = tpu.memref_slice %arg15[%add3A_8, %dma_start3A_96] : memref<10112x128xf32, #tpu.memory_space<vmem_shared>> -> memref<128x128xf32, #tpu.memory_space<vmem_shared>>
      %dma_start3A_98 = arith.constant 0 : i32
      %dma_start3A_99 = tpu.memref_slice %arg15[%add3A_8, %dma_start3A_98] : memref<10112x128xf32, #tpu.memory_space<vmem_shared>> -> memref<128x128xf32, #tpu.memory_space<vmem_shared>>
      tpu.enqueue_dma source(%arg12 : memref<128x128xf32, #tpu.memory_space<vmem>>) target(%dma_start3A_99 : memref<128x128xf32, #tpu.memory_space<vmem_shared>>) target_semaphore(%run_scoped3A : memref<!tpu.dma_semaphore, #tpu.memory_space<semaphore_mem>>)
      %dma_wait3A_100 = arith.constant 0 : i32
      %dma_wait3A_101 = tpu.memref_slice %arg15[%add3A_8, %dma_wait3A_100] : memref<10112x128xf32, #tpu.memory_space<vmem_shared>> -> memref<128x128xf32, #tpu.memory_space<vmem_shared>>
      %dma_wait3A_102 = arith.constant 0 : i32
      %dma_wait3A_103 = tpu.memref_slice %arg15[%add3A_8, %dma_wait3A_102] : memref<10112x128xf32, #tpu.memory_space<vmem_shared>> -> memref<128x128xf32, #tpu.memory_space<vmem_shared>>
      tpu.wait_dma2 semaphore(%run_scoped3A : memref<!tpu.dma_semaphore, #tpu.memory_space<semaphore_mem>>) src(%arg12 : memref<128x128xf32, #tpu.memory_space<vmem>>) dst(%dma_wait3A_103 : memref<128x128xf32, #tpu.memory_space<vmem_shared>>)
      tpu.yield
    }) : () -> ()
    %add3A_9 = arith.constant 128 : i32
    %add3A_10 = arith.addi %mul3A_6, %add3A_9 : i32
    "tpu.region"() ({
      %run_scoped3A = tpu.sem_alloc : memref<!tpu.dma_semaphore, #tpu.memory_space<semaphore_mem>>
      %dma_start3A_96 = arith.constant 0 : i32
      %dma_start3A_97 = tpu.memref_slice %arg15[%add3A_10, %dma_start3A_96] : memref<10112x128xf32, #tpu.memory_space<vmem_shared>> -> memref<128x128xf32, #tpu.memory_space<vmem_shared>>
      %dma_start3A_98 = arith.constant 0 : i32
      %dma_start3A_99 = tpu.memref_slice %arg15[%add3A_10, %dma_start3A_98] : memref<10112x128xf32, #tpu.memory_space<vmem_shared>> -> memref<128x128xf32, #tpu.memory_space<vmem_shared>>
      tpu.enqueue_dma source(%arg12 : memref<128x128xf32, #tpu.memory_space<vmem>>) target(%dma_start3A_99 : memref<128x128xf32, #tpu.memory_space<vmem_shared>>) target_semaphore(%run_scoped3A : memref<!tpu.dma_semaphore, #tpu.memory_space<semaphore_mem>>)
      %dma_wait3A_100 = arith.constant 0 : i32
      %dma_wait3A_101 = tpu.memref_slice %arg15[%add3A_10, %dma_wait3A_100] : memref<10112x128xf32, #tpu.memory_space<vmem_shared>> -> memref<128x128xf32, #tpu.memory_space<vmem_shared>>
      %dma_wait3A_102 = arith.constant 0 : i32
      %dma_wait3A_103 = tpu.memref_slice %arg15[%add3A_10, %dma_wait3A_102] : memref<10112x128xf32, #tpu.memory_space<vmem_shared>> -> memref<128x128xf32, #tpu.memory_space<vmem_shared>>
      tpu.wait_dma2 semaphore(%run_scoped3A : memref<!tpu.dma_semaphore, #tpu.memory_space<semaphore_mem>>) src(%arg12 : memref<128x128xf32, #tpu.memory_space<vmem>>) dst(%dma_wait3A_103 : memref<128x128xf32, #tpu.memory_space<vmem_shared>>)
      tpu.yield
    }) : () -> ()
    %add3A_11 = arith.constant 256 : i32
    %add3A_12 = arith.addi %mul3A_6, %add3A_11 : i32
    "tpu.region"() ({
      %run_scoped3A = tpu.sem_alloc : memref<!tpu.dma_semaphore, #tpu.memory_space<semaphore_mem>>
      %dma_start3A_96 = arith.constant 0 : i32
      %dma_start3A_97 = tpu.memref_slice %arg15[%add3A_12, %dma_start3A_96] : memref<10112x128xf32, #tpu.memory_space<vmem_shared>> -> memref<128x128xf32, #tpu.memory_space<vmem_shared>>
      %dma_start3A_98 = arith.constant 0 : i32
      %dma_start3A_99 = tpu.memref_slice %arg15[%add3A_12, %dma_start3A_98] : memref<10112x128xf32, #tpu.memory_space<vmem_shared>> -> memref<128x128xf32, #tpu.memory_space<vmem_shared>>
      tpu.enqueue_dma source(%arg12 : memref<128x128xf32, #tpu.memory_space<vmem>>) target(%dma_start3A_99 : memref<128x128xf32, #tpu.memory_space<vmem_shared>>) target_semaphore(%run_scoped3A : memref<!tpu.dma_semaphore, #tpu.memory_space<semaphore_mem>>)
      %dma_wait3A_100 = arith.constant 0 : i32
      %dma_wait3A_101 = tpu.memref_slice %arg15[%add3A_12, %dma_wait3A_100] : memref<10112x128xf32, #tpu.memory_space<vmem_shared>> -> memref<128x128xf32, #tpu.memory_space<vmem_shared>>
      %dma_wait3A_102 = arith.constant 0 : i32
      %dma_wait3A_103 = tpu.memref_slice %arg15[%add3A_12, %dma_wait3A_102] : memref<10112x128xf32, #tpu.memory_space<vmem_shared>> -> memref<128x128xf32, #tpu.memory_space<vmem_shared>>
      tpu.wait_dma2 semaphore(%run_scoped3A : memref<!tpu.dma_semaphore, #tpu.memory_space<semaphore_mem>>) src(%arg12 : memref<128x128xf32, #tpu.memory_space<vmem>>) dst(%dma_wait3A_103 : memref<128x128xf32, #tpu.memory_space<vmem_shared>>)
      tpu.yield
    }) : () -> ()
    %add3A_13 = arith.constant 384 : i32
    %add3A_14 = arith.addi %mul3A_6, %add3A_13 : i32
    "tpu.region"() ({
      %run_scoped3A = tpu.sem_alloc : memref<!tpu.dma_semaphore, #tpu.memory_space<semaphore_mem>>
      %dma_start3A_96 = arith.constant 0 : i32
      %dma_start3A_97 = tpu.memref_slice %arg15[%add3A_14, %dma_start3A_96] : memref<10112x128xf32, #tpu.memory_space<vmem_shared>> -> memref<128x128xf32, #tpu.memory_space<vmem_shared>>
      %dma_start3A_98 = arith.constant 0 : i32
      %dma_start3A_99 = tpu.memref_slice %arg15[%add3A_14, %dma_start3A_98] : memref<10112x128xf32, #tpu.memory_space<vmem_shared>> -> memref<128x128xf32, #tpu.memory_space<vmem_shared>>
      tpu.enqueue_dma source(%arg12 : memref<128x128xf32, #tpu.memory_space<vmem>>) target(%dma_start3A_99 : memref<128x128xf32, #tpu.memory_space<vmem_shared>>) target_semaphore(%run_scoped3A : memref<!tpu.dma_semaphore, #tpu.memory_space<semaphore_mem>>)
      %dma_wait3A_100 = arith.constant 0 : i32
      %dma_wait3A_101 = tpu.memref_slice %arg15[%add3A_14, %dma_wait3A_100] : memref<10112x128xf32, #tpu.memory_space<vmem_shared>> -> memref<128x128xf32, #tpu.memory_space<vmem_shared>>
      %dma_wait3A_102 = arith.constant 0 : i32
      %dma_wait3A_103 = tpu.memref_slice %arg15[%add3A_14, %dma_wait3A_102] : memref<10112x128xf32, #tpu.memory_space<vmem_shared>> -> memref<128x128xf32, #tpu.memory_space<vmem_shared>>
      tpu.wait_dma2 semaphore(%run_scoped3A : memref<!tpu.dma_semaphore, #tpu.memory_space<semaphore_mem>>) src(%arg12 : memref<128x128xf32, #tpu.memory_space<vmem>>) dst(%dma_wait3A_103 : memref<128x128xf32, #tpu.memory_space<vmem_shared>>)
      tpu.yield
    }) : () -> ()
    %add3A_15 = arith.constant 512 : i32
    %add3A_16 = arith.addi %mul3A_6, %add3A_15 : i32
    "tpu.region"() ({
      %run_scoped3A = tpu.sem_alloc : memref<!tpu.dma_semaphore, #tpu.memory_space<semaphore_mem>>
      %dma_start3A_96 = arith.constant 0 : i32
      %dma_start3A_97 = arith.constant 0 : i32
      %dma_start3A_98 = tpu.memref_slice %arg12[%dma_start3A_96, %dma_start3A_97] : memref<128x128xf32, #tpu.memory_space<vmem>> -> memref<120x128xf32, #tpu.memory_space<vmem>>
      %dma_start3A_99 = arith.constant 0 : i32
      %dma_start3A_100 = tpu.memref_slice %arg15[%add3A_16, %dma_start3A_99] : memref<10112x128xf32, #tpu.memory_space<vmem_shared>> -> memref<120x128xf32, #tpu.memory_space<vmem_shared>>
      %dma_start3A_101 = arith.constant 0 : i32
      %dma_start3A_102 = tpu.memref_slice %arg15[%add3A_16, %dma_start3A_101] : memref<10112x128xf32, #tpu.memory_space<vmem_shared>> -> memref<120x128xf32, #tpu.memory_space<vmem_shared>>
      %dma_start3A_103 = arith.constant 0 : i32
      %dma_start3A_104 = arith.constant 0 : i32
      %dma_start3A_105 = tpu.memref_slice %arg12[%dma_start3A_103, %dma_start3A_104] : memref<128x128xf32, #tpu.memory_space<vmem>> -> memref<120x128xf32, #tpu.memory_space<vmem>>
      tpu.enqueue_dma source(%dma_start3A_105 : memref<120x128xf32, #tpu.memory_space<vmem>>) target(%dma_start3A_102 : memref<120x128xf32, #tpu.memory_space<vmem_shared>>) target_semaphore(%run_scoped3A : memref<!tpu.dma_semaphore, #tpu.memory_space<semaphore_mem>>)
      %dma_wait3A_106 = arith.constant 0 : i32
      %dma_wait3A_107 = arith.constant 0 : i32
      %dma_wait3A_108 = tpu.memref_slice %arg12[%dma_wait3A_106, %dma_wait3A_107] : memref<128x128xf32, #tpu.memory_space<vmem>> -> memref<120x128xf32, #tpu.memory_space<vmem>>
      %dma_wait3A_109 = arith.constant 0 : i32
      %dma_wait3A_110 = tpu.memref_slice %arg15[%add3A_16, %dma_wait3A_109] : memref<10112x128xf32, #tpu.memory_space<vmem_shared>> -> memref<120x128xf32, #tpu.memory_space<vmem_shared>>
      %dma_wait3A_111 = arith.constant 0 : i32
      %dma_wait3A_112 = tpu.memref_slice %arg15[%add3A_16, %dma_wait3A_111] : memref<10112x128xf32, #tpu.memory_space<vmem_shared>> -> memref<120x128xf32, #tpu.memory_space<vmem_shared>>
      %dma_wait3A_113 = arith.constant 0 : i32
      %dma_wait3A_114 = arith.constant 0 : i32
      %dma_wait3A_115 = tpu.memref_slice %arg12[%dma_wait3A_113, %dma_wait3A_114] : memref<128x128xf32, #tpu.memory_space<vmem>> -> memref<120x128xf32, #tpu.memory_space<vmem>>
      tpu.wait_dma2 semaphore(%run_scoped3A : memref<!tpu.dma_semaphore, #tpu.memory_space<semaphore_mem>>) src(%dma_wait3A_115 : memref<120x128xf32, #tpu.memory_space<vmem>>) dst(%dma_wait3A_112 : memref<120x128xf32, #tpu.memory_space<vmem_shared>>)
      tpu.yield
    }) : () -> ()
    %barrier3A = arith.constant 0 : index
    tpu.barrier barrier_id(%barrier3A)
    %mul3A_17 = arith.constant 80 : i32
    %mul3A_18 = arith.muli %add3A, %mul3A_17 : i32
    %dma_start3A = arith.constant 0 : i32
    %dma_start3A_19 = tpu.memref_slice %arg3[%mul3A_18, %dma_start3A] : memref<2560x128xi32, #tpu.memory_space<hbm>> -> memref<1x128xi32, #tpu.memory_space<hbm>>
    %dma_start3A_20 = tpu.memref_squeeze %dma_start3A_19 : memref<1x128xi32, #tpu.memory_space<hbm>> -> memref<128xi32, #tpu.memory_space<hbm>>
    %dma_start3A_21 = arith.constant 0 : i32
    %dma_start3A_22 = tpu.memref_slice %arg3[%mul3A_18, %dma_start3A_21] : memref<2560x128xi32, #tpu.memory_space<hbm>> -> memref<1x128xi32, #tpu.memory_space<hbm>>
    %dma_start3A_23 = tpu.memref_squeeze %dma_start3A_22 : memref<1x128xi32, #tpu.memory_space<hbm>> -> memref<128xi32, #tpu.memory_space<hbm>>
    tpu.enqueue_dma source(%dma_start3A_23 : memref<128xi32, #tpu.memory_space<hbm>>) target(%arg6 : memref<128xi32, #tpu.memory_space<vmem>>) target_semaphore(%arg19 : memref<!tpu.dma_semaphore, #tpu.memory_space<semaphore_mem>>)
    %dma_start3A_24 = arith.constant 0 : i32
    %dma_start3A_25 = tpu.memref_slice %arg4[%mul3A_18, %dma_start3A_24] : memref<2560x128xi32, #tpu.memory_space<hbm>> -> memref<1x128xi32, #tpu.memory_space<hbm>>
    %dma_start3A_26 = tpu.memref_squeeze %dma_start3A_25 : memref<1x128xi32, #tpu.memory_space<hbm>> -> memref<128xi32, #tpu.memory_space<hbm>>
    %dma_start3A_27 = arith.constant 0 : i32
    %dma_start3A_28 = tpu.memref_slice %arg4[%mul3A_18, %dma_start3A_27] : memref<2560x128xi32, #tpu.memory_space<hbm>> -> memref<1x128xi32, #tpu.memory_space<hbm>>
    %dma_start3A_29 = tpu.memref_squeeze %dma_start3A_28 : memref<1x128xi32, #tpu.memory_space<hbm>> -> memref<128xi32, #tpu.memory_space<hbm>>
    tpu.enqueue_dma source(%dma_start3A_29 : memref<128xi32, #tpu.memory_space<hbm>>) target(%arg9 : memref<128xi32, #tpu.memory_space<vmem>>) target_semaphore(%arg22 : memref<!tpu.dma_semaphore, #tpu.memory_space<semaphore_mem>>)
    %add3A_30 = arith.constant 1 : i32
    %add3A_31 = arith.addi %mul3A_18, %add3A_30 : i32
    %dma_start3A_32 = arith.constant 0 : i32
    %dma_start3A_33 = tpu.memref_slice %arg3[%add3A_31, %dma_start3A_32] : memref<2560x128xi32, #tpu.memory_space<hbm>> -> memref<1x128xi32, #tpu.memory_space<hbm>>
    %dma_start3A_34 = tpu.memref_squeeze %dma_start3A_33 : memref<1x128xi32, #tpu.memory_space<hbm>> -> memref<128xi32, #tpu.memory_space<hbm>>
    %dma_start3A_35 = arith.constant 0 : i32
    %dma_start3A_36 = tpu.memref_slice %arg3[%add3A_31, %dma_start3A_35] : memref<2560x128xi32, #tpu.memory_space<hbm>> -> memref<1x128xi32, #tpu.memory_space<hbm>>
    %dma_start3A_37 = tpu.memref_squeeze %dma_start3A_36 : memref<1x128xi32, #tpu.memory_space<hbm>> -> memref<128xi32, #tpu.memory_space<hbm>>
    tpu.enqueue_dma source(%dma_start3A_37 : memref<128xi32, #tpu.memory_space<hbm>>) target(%arg7 : memref<128xi32, #tpu.memory_space<vmem>>) target_semaphore(%arg20 : memref<!tpu.dma_semaphore, #tpu.memory_space<semaphore_mem>>)
    %dma_start3A_38 = arith.constant 0 : i32
    %dma_start3A_39 = tpu.memref_slice %arg4[%add3A_31, %dma_start3A_38] : memref<2560x128xi32, #tpu.memory_space<hbm>> -> memref<1x128xi32, #tpu.memory_space<hbm>>
    %dma_start3A_40 = tpu.memref_squeeze %dma_start3A_39 : memref<1x128xi32, #tpu.memory_space<hbm>> -> memref<128xi32, #tpu.memory_space<hbm>>
    %dma_start3A_41 = arith.constant 0 : i32
    %dma_start3A_42 = tpu.memref_slice %arg4[%add3A_31, %dma_start3A_41] : memref<2560x128xi32, #tpu.memory_space<hbm>> -> memref<1x128xi32, #tpu.memory_space<hbm>>
    %dma_start3A_43 = tpu.memref_squeeze %dma_start3A_42 : memref<1x128xi32, #tpu.memory_space<hbm>> -> memref<128xi32, #tpu.memory_space<hbm>>
    tpu.enqueue_dma source(%dma_start3A_43 : memref<128xi32, #tpu.memory_space<hbm>>) target(%arg10 : memref<128xi32, #tpu.memory_space<vmem>>) target_semaphore(%arg23 : memref<!tpu.dma_semaphore, #tpu.memory_space<semaphore_mem>>)
    %dma_wait3A = arith.constant 0 : i32
    %dma_wait3A_44 = tpu.memref_slice %arg3[%mul3A_18, %dma_wait3A] : memref<2560x128xi32, #tpu.memory_space<hbm>> -> memref<1x128xi32, #tpu.memory_space<hbm>>
    %dma_wait3A_45 = tpu.memref_squeeze %dma_wait3A_44 : memref<1x128xi32, #tpu.memory_space<hbm>> -> memref<128xi32, #tpu.memory_space<hbm>>
    %dma_wait3A_46 = arith.constant 0 : i32
    %dma_wait3A_47 = tpu.memref_slice %arg3[%mul3A_18, %dma_wait3A_46] : memref<2560x128xi32, #tpu.memory_space<hbm>> -> memref<1x128xi32, #tpu.memory_space<hbm>>
    %dma_wait3A_48 = tpu.memref_squeeze %dma_wait3A_47 : memref<1x128xi32, #tpu.memory_space<hbm>> -> memref<128xi32, #tpu.memory_space<hbm>>
    tpu.wait_dma2 semaphore(%arg19 : memref<!tpu.dma_semaphore, #tpu.memory_space<semaphore_mem>>) src(%dma_wait3A_48 : memref<128xi32, #tpu.memory_space<hbm>>) dst(%arg6 : memref<128xi32, #tpu.memory_space<vmem>>)
    %dma_start3A_49 = arith.constant 0 : i32
    %dma_start3A_50 = arith.constant 0 : i32
    %dma_start3A_51 = tpu.memref_slice %arg2[%dma_start3A_49, %dma_start3A_50] : memref<10240x128xf32, #tpu.memory_space<hbm>> -> memref<10240x128xf32, #tpu.memory_space<hbm>>
    tpu.enqueue_indirect_dma source(%dma_start3A_51 : memref<10240x128xf32, #tpu.memory_space<hbm>>) target(%arg12 : memref<128x128xf32, #tpu.memory_space<vmem>>) offsets(%arg6 : memref<128xi32, #tpu.memory_space<vmem>>) semaphore(%arg16 : memref<!tpu.dma_semaphore, #tpu.memory_space<semaphore_mem>>)
    %scan3A_52 = arith.constant 0 : i32
    %scan3A_53 = arith.constant 26 : i32
    %scan3A_54 = arith.addi %scan3A_52, %scan3A_53 : i32
    %scan3A_55 = arith.constant 1 : i32
    scf.for %scan3A_96 = %scan3A_52 to %scan3A_54 step %scan3A_55  : i32 {
      %mul3A_97 = arith.constant 3 : i32
      %mul3A_98 = arith.muli %scan3A_96, %mul3A_97 : i32
      %add3A_99 = arith.constant 0 : i32
      %add3A_100 = arith.addi %add3A_99, %mul3A_98 : i32
      %add3A_101 = arith.addi %mul3A_18, %add3A_100 : i32
      %add3A_102 = arith.constant 2 : i32
      %add3A_103 = arith.addi %add3A_101, %add3A_102 : i32
      %dma_start3A_104 = arith.constant 0 : i32
      %dma_start3A_105 = tpu.memref_slice %arg3[%add3A_103, %dma_start3A_104] : memref<2560x128xi32, #tpu.memory_space<hbm>> -> memref<1x128xi32, #tpu.memory_space<hbm>>
      %dma_start3A_106 = tpu.memref_squeeze %dma_start3A_105 : memref<1x128xi32, #tpu.memory_space<hbm>> -> memref<128xi32, #tpu.memory_space<hbm>>
      %dma_start3A_107 = arith.constant 0 : i32
      %dma_start3A_108 = tpu.memref_slice %arg3[%add3A_103, %dma_start3A_107] : memref<2560x128xi32, #tpu.memory_space<hbm>> -> memref<1x128xi32, #tpu.memory_space<hbm>>
      %dma_start3A_109 = tpu.memref_squeeze %dma_start3A_108 : memref<1x128xi32, #tpu.memory_space<hbm>> -> memref<128xi32, #tpu.memory_space<hbm>>
      tpu.enqueue_dma source(%dma_start3A_109 : memref<128xi32, #tpu.memory_space<hbm>>) target(%arg8 : memref<128xi32, #tpu.memory_space<vmem>>) target_semaphore(%arg21 : memref<!tpu.dma_semaphore, #tpu.memory_space<semaphore_mem>>)
      %dma_start3A_110 = arith.constant 0 : i32
      %dma_start3A_111 = tpu.memref_slice %arg4[%add3A_103, %dma_start3A_110] : memref<2560x128xi32, #tpu.memory_space<hbm>> -> memref<1x128xi32, #tpu.memory_space<hbm>>
      %dma_start3A_112 = tpu.memref_squeeze %dma_start3A_111 : memref<1x128xi32, #tpu.memory_space<hbm>> -> memref<128xi32, #tpu.memory_space<hbm>>
      %dma_start3A_113 = arith.constant 0 : i32
      %dma_start3A_114 = tpu.memref_slice %arg4[%add3A_103, %dma_start3A_113] : memref<2560x128xi32, #tpu.memory_space<hbm>> -> memref<1x128xi32, #tpu.memory_space<hbm>>
      %dma_start3A_115 = tpu.memref_squeeze %dma_start3A_114 : memref<1x128xi32, #tpu.memory_space<hbm>> -> memref<128xi32, #tpu.memory_space<hbm>>
      tpu.enqueue_dma source(%dma_start3A_115 : memref<128xi32, #tpu.memory_space<hbm>>) target(%arg11 : memref<128xi32, #tpu.memory_space<vmem>>) target_semaphore(%arg24 : memref<!tpu.dma_semaphore, #tpu.memory_space<semaphore_mem>>)
      %add3A_116 = arith.addi %mul3A_18, %add3A_100 : i32
      %add3A_117 = arith.constant 1 : i32
      %add3A_118 = arith.addi %add3A_116, %add3A_117 : i32
      %dma_wait3A_119 = arith.constant 0 : i32
      %dma_wait3A_120 = tpu.memref_slice %arg3[%add3A_118, %dma_wait3A_119] : memref<2560x128xi32, #tpu.memory_space<hbm>> -> memref<1x128xi32, #tpu.memory_space<hbm>>
      %dma_wait3A_121 = tpu.memref_squeeze %dma_wait3A_120 : memref<1x128xi32, #tpu.memory_space<hbm>> -> memref<128xi32, #tpu.memory_space<hbm>>
      %dma_wait3A_122 = arith.constant 0 : i32
      %dma_wait3A_123 = tpu.memref_slice %arg3[%add3A_118, %dma_wait3A_122] : memref<2560x128xi32, #tpu.memory_space<hbm>> -> memref<1x128xi32, #tpu.memory_space<hbm>>
      %dma_wait3A_124 = tpu.memref_squeeze %dma_wait3A_123 : memref<1x128xi32, #tpu.memory_space<hbm>> -> memref<128xi32, #tpu.memory_space<hbm>>
      tpu.wait_dma2 semaphore(%arg20 : memref<!tpu.dma_semaphore, #tpu.memory_space<semaphore_mem>>) src(%dma_wait3A_124 : memref<128xi32, #tpu.memory_space<hbm>>) dst(%arg7 : memref<128xi32, #tpu.memory_space<vmem>>)
      %dma_start3A_125 = arith.constant 0 : i32
      %dma_start3A_126 = arith.constant 0 : i32
      %dma_start3A_127 = tpu.memref_slice %arg2[%dma_start3A_125, %dma_start3A_126] : memref<10240x128xf32, #tpu.memory_space<hbm>> -> memref<10240x128xf32, #tpu.memory_space<hbm>>
      tpu.enqueue_indirect_dma source(%dma_start3A_127 : memref<10240x128xf32, #tpu.memory_space<hbm>>) target(%arg13 : memref<128x128xf32, #tpu.memory_space<vmem>>) offsets(%arg7 : memref<128xi32, #tpu.memory_space<vmem>>) semaphore(%arg17 : memref<!tpu.dma_semaphore, #tpu.memory_space<semaphore_mem>>)
      %add3A_128 = arith.addi %mul3A_18, %add3A_100 : i32
      %dma_wait3A_129 = arith.constant 0 : i32
      %dma_wait3A_130 = arith.constant 0 : i32
      %dma_wait3A_131 = tpu.memref_slice %arg2[%dma_wait3A_129, %dma_wait3A_130] : memref<10240x128xf32, #tpu.memory_space<hbm>> -> memref<10240x128xf32, #tpu.memory_space<hbm>>
      tpu.wait_indirect_dma semaphore(%arg16 : memref<!tpu.dma_semaphore, #tpu.memory_space<semaphore_mem>>) src(%dma_wait3A_131 : memref<10240x128xf32, #tpu.memory_space<hbm>>) dst(%arg12 : memref<128x128xf32, #tpu.memory_space<vmem>>)
      %dma_wait3A_132 = arith.constant 0 : i32
      %dma_wait3A_133 = tpu.memref_slice %arg4[%add3A_128, %dma_wait3A_132] : memref<2560x128xi32, #tpu.memory_space<hbm>> -> memref<1x128xi32, #tpu.memory_space<hbm>>
      %dma_wait3A_134 = tpu.memref_squeeze %dma_wait3A_133 : memref<1x128xi32, #tpu.memory_space<hbm>> -> memref<128xi32, #tpu.memory_space<hbm>>
      %dma_wait3A_135 = arith.constant 0 : i32
      %dma_wait3A_136 = tpu.memref_slice %arg4[%add3A_128, %dma_wait3A_135] : memref<2560x128xi32, #tpu.memory_space<hbm>> -> memref<1x128xi32, #tpu.memory_space<hbm>>
      %dma_wait3A_137 = tpu.memref_squeeze %dma_wait3A_136 : memref<1x128xi32, #tpu.memory_space<hbm>> -> memref<128xi32, #tpu.memory_space<hbm>>
      tpu.wait_dma2 semaphore(%arg22 : memref<!tpu.dma_semaphore, #tpu.memory_space<semaphore_mem>>) src(%dma_wait3A_137 : memref<128xi32, #tpu.memory_space<hbm>>) dst(%arg9 : memref<128xi32, #tpu.memory_space<vmem>>)
      "tpu.region"() ({
        %run_scoped3A = tpu.sem_alloc : memref<!tpu.dma_semaphore, #tpu.memory_space<semaphore_mem>>
        %dma_start3A_216 = arith.constant 0 : i32
        %dma_start3A_217 = arith.constant 0 : i32
        %dma_start3A_218 = tpu.memref_slice %arg15[%dma_start3A_216, %dma_start3A_217] : memref<10112x128xf32, #tpu.memory_space<vmem_shared>> -> memref<10112x128xf32, #tpu.memory_space<vmem_shared>>
        tpu.enqueue_indirect_dma source(%arg12 : memref<128x128xf32, #tpu.memory_space<vmem>>) target(%dma_start3A_218 : memref<10112x128xf32, #tpu.memory_space<vmem_shared>>) offsets(%arg9 : memref<128xi32, #tpu.memory_space<vmem>>) semaphore(%run_scoped3A : memref<!tpu.dma_semaphore, #tpu.memory_space<semaphore_mem>>) {add = true}
        %dma_wait3A_219 = arith.constant 0 : i32
        %dma_wait3A_220 = arith.constant 0 : i32
        %dma_wait3A_221 = tpu.memref_slice %arg15[%dma_wait3A_219, %dma_wait3A_220] : memref<10112x128xf32, #tpu.memory_space<vmem_shared>> -> memref<10112x128xf32, #tpu.memory_space<vmem_shared>>
        tpu.wait_indirect_dma semaphore(%run_scoped3A : memref<!tpu.dma_semaphore, #tpu.memory_space<semaphore_mem>>) src(%arg12 : memref<128x128xf32, #tpu.memory_space<vmem>>) dst(%dma_wait3A_221 : memref<10112x128xf32, #tpu.memory_space<vmem_shared>>)
        tpu.yield
      }) : () -> ()
      %add3A_138 = arith.addi %mul3A_18, %add3A_100 : i32
      %add3A_139 = arith.constant 3 : i32
      %add3A_140 = arith.addi %add3A_138, %add3A_139 : i32
      %dma_start3A_141 = arith.constant 0 : i32
      %dma_start3A_142 = tpu.memref_slice %arg3[%add3A_140, %dma_start3A_141] : memref<2560x128xi32, #tpu.memory_space<hbm>> -> memref<1x128xi32, #tpu.memory_space<hbm>>
      %dma_start3A_143 = tpu.memref_squeeze %dma_start3A_142 : memref<1x128xi32, #tpu.memory_space<hbm>> -> memref<128xi32, #tpu.memory_space<hbm>>
      %dma_start3A_144 = arith.constant 0 : i32
      %dma_start3A_145 = tpu.memref_slice %arg3[%add3A_140, %dma_start3A_144] : memref<2560x128xi32, #tpu.memory_space<hbm>> -> memref<1x128xi32, #tpu.memory_space<hbm>>
      %dma_start3A_146 = tpu.memref_squeeze %dma_start3A_145 : memref<1x128xi32, #tpu.memory_space<hbm>> -> memref<128xi32, #tpu.memory_space<hbm>>
      tpu.enqueue_dma source(%dma_start3A_146 : memref<128xi32, #tpu.memory_space<hbm>>) target(%arg6 : memref<128xi32, #tpu.memory_space<vmem>>) target_semaphore(%arg19 : memref<!tpu.dma_semaphore, #tpu.memory_space<semaphore_mem>>)
      %dma_start3A_147 = arith.constant 0 : i32
      %dma_start3A_148 = tpu.memref_slice %arg4[%add3A_140, %dma_start3A_147] : memref<2560x128xi32, #tpu.memory_space<hbm>> -> memref<1x128xi32, #tpu.memory_space<hbm>>
      %dma_start3A_149 = tpu.memref_squeeze %dma_start3A_148 : memref<1x128xi32, #tpu.memory_space<hbm>> -> memref<128xi32, #tpu.memory_space<hbm>>
      %dma_start3A_150 = arith.constant 0 : i32
      %dma_start3A_151 = tpu.memref_slice %arg4[%add3A_140, %dma_start3A_150] : memref<2560x128xi32, #tpu.memory_space<hbm>> -> memref<1x128xi32, #tpu.memory_space<hbm>>
      %dma_start3A_152 = tpu.memref_squeeze %dma_start3A_151 : memref<1x128xi32, #tpu.memory_space<hbm>> -> memref<128xi32, #tpu.memory_space<hbm>>
      tpu.enqueue_dma source(%dma_start3A_152 : memref<128xi32, #tpu.memory_space<hbm>>) target(%arg9 : memref<128xi32, #tpu.memory_space<vmem>>) target_semaphore(%arg22 : memref<!tpu.dma_semaphore, #tpu.memory_space<semaphore_mem>>)
      %add3A_153 = arith.addi %mul3A_18, %add3A_100 : i32
      %add3A_154 = arith.constant 2 : i32
      %add3A_155 = arith.addi %add3A_153, %add3A_154 : i32
      %dma_wait3A_156 = arith.constant 0 : i32
      %dma_wait3A_157 = tpu.memref_slice %arg3[%add3A_155, %dma_wait3A_156] : memref<2560x128xi32, #tpu.memory_space<hbm>> -> memref<1x128xi32, #tpu.memory_space<hbm>>
      %dma_wait3A_158 = tpu.memref_squeeze %dma_wait3A_157 : memref<1x128xi32, #tpu.memory_space<hbm>> -> memref<128xi32, #tpu.memory_space<hbm>>
      %dma_wait3A_159 = arith.constant 0 : i32
      %dma_wait3A_160 = tpu.memref_slice %arg3[%add3A_155, %dma_wait3A_159] : memref<2560x128xi32, #tpu.memory_space<hbm>> -> memref<1x128xi32, #tpu.memory_space<hbm>>
      %dma_wait3A_161 = tpu.memref_squeeze %dma_wait3A_160 : memref<1x128xi32, #tpu.memory_space<hbm>> -> memref<128xi32, #tpu.memory_space<hbm>>
      tpu.wait_dma2 semaphore(%arg21 : memref<!tpu.dma_semaphore, #tpu.memory_space<semaphore_mem>>) src(%dma_wait3A_161 : memref<128xi32, #tpu.memory_space<hbm>>) dst(%arg8 : memref<128xi32, #tpu.memory_space<vmem>>)
      %dma_start3A_162 = arith.constant 0 : i32
      %dma_start3A_163 = arith.constant 0 : i32
      %dma_start3A_164 = tpu.memref_slice %arg2[%dma_start3A_162, %dma_start3A_163] : memref<10240x128xf32, #tpu.memory_space<hbm>> -> memref<10240x128xf32, #tpu.memory_space<hbm>>
      tpu.enqueue_indirect_dma source(%dma_start3A_164 : memref<10240x128xf32, #tpu.memory_space<hbm>>) target(%arg14 : memref<128x128xf32, #tpu.memory_space<vmem>>) offsets(%arg8 : memref<128xi32, #tpu.memory_space<vmem>>) semaphore(%arg18 : memref<!tpu.dma_semaphore, #tpu.memory_space<semaphore_mem>>)
      %add3A_165 = arith.addi %mul3A_18, %add3A_100 : i32
      %add3A_166 = arith.constant 1 : i32
      %add3A_167 = arith.addi %add3A_165, %add3A_166 : i32
      %dma_wait3A_168 = arith.constant 0 : i32
      %dma_wait3A_169 = arith.constant 0 : i32
      %dma_wait3A_170 = tpu.memref_slice %arg2[%dma_wait3A_168, %dma_wait3A_169] : memref<10240x128xf32, #tpu.memory_space<hbm>> -> memref<10240x128xf32, #tpu.memory_space<hbm>>
      tpu.wait_indirect_dma semaphore(%arg17 : memref<!tpu.dma_semaphore, #tpu.memory_space<semaphore_mem>>) src(%dma_wait3A_170 : memref<10240x128xf32, #tpu.memory_space<hbm>>) dst(%arg13 : memref<128x128xf32, #tpu.memory_space<vmem>>)
      %dma_wait3A_171 = arith.constant 0 : i32
      %dma_wait3A_172 = tpu.memref_slice %arg4[%add3A_167, %dma_wait3A_171] : memref<2560x128xi32, #tpu.memory_space<hbm>> -> memref<1x128xi32, #tpu.memory_space<hbm>>
      %dma_wait3A_173 = tpu.memref_squeeze %dma_wait3A_172 : memref<1x128xi32, #tpu.memory_space<hbm>> -> memref<128xi32, #tpu.memory_space<hbm>>
      %dma_wait3A_174 = arith.constant 0 : i32
      %dma_wait3A_175 = tpu.memref_slice %arg4[%add3A_167, %dma_wait3A_174] : memref<2560x128xi32, #tpu.memory_space<hbm>> -> memref<1x128xi32, #tpu.memory_space<hbm>>
      %dma_wait3A_176 = tpu.memref_squeeze %dma_wait3A_175 : memref<1x128xi32, #tpu.memory_space<hbm>> -> memref<128xi32, #tpu.memory_space<hbm>>
      tpu.wait_dma2 semaphore(%arg23 : memref<!tpu.dma_semaphore, #tpu.memory_space<semaphore_mem>>) src(%dma_wait3A_176 : memref<128xi32, #tpu.memory_space<hbm>>) dst(%arg10 : memref<128xi32, #tpu.memory_space<vmem>>)
      "tpu.region"() ({
        %run_scoped3A = tpu.sem_alloc : memref<!tpu.dma_semaphore, #tpu.memory_space<semaphore_mem>>
        %dma_start3A_216 = arith.constant 0 : i32
        %dma_start3A_217 = arith.constant 0 : i32
        %dma_start3A_218 = tpu.memref_slice %arg15[%dma_start3A_216, %dma_start3A_217] : memref<10112x128xf32, #tpu.memory_space<vmem_shared>> -> memref<10112x128xf32, #tpu.memory_space<vmem_shared>>
        tpu.enqueue_indirect_dma source(%arg13 : memref<128x128xf32, #tpu.memory_space<vmem>>) target(%dma_start3A_218 : memref<10112x128xf32, #tpu.memory_space<vmem_shared>>) offsets(%arg10 : memref<128xi32, #tpu.memory_space<vmem>>) semaphore(%run_scoped3A : memref<!tpu.dma_semaphore, #tpu.memory_space<semaphore_mem>>) {add = true}
        %dma_wait3A_219 = arith.constant 0 : i32
        %dma_wait3A_220 = arith.constant 0 : i32
        %dma_wait3A_221 = tpu.memref_slice %arg15[%dma_wait3A_219, %dma_wait3A_220] : memref<10112x128xf32, #tpu.memory_space<vmem_shared>> -> memref<10112x128xf32, #tpu.memory_space<vmem_shared>>
        tpu.wait_indirect_dma semaphore(%run_scoped3A : memref<!tpu.dma_semaphore, #tpu.memory_space<semaphore_mem>>) src(%arg13 : memref<128x128xf32, #tpu.memory_space<vmem>>) dst(%dma_wait3A_221 : memref<10112x128xf32, #tpu.memory_space<vmem_shared>>)
        tpu.yield
      }) : () -> ()
      %add3A_177 = arith.addi %mul3A_18, %add3A_100 : i32
      %add3A_178 = arith.constant 4 : i32
      %add3A_179 = arith.addi %add3A_177, %add3A_178 : i32
      %dma_start3A_180 = arith.constant 0 : i32
      %dma_start3A_181 = tpu.memref_slice %arg3[%add3A_179, %dma_start3A_180] : memref<2560x128xi32, #tpu.memory_space<hbm>> -> memref<1x128xi32, #tpu.memory_space<hbm>>
      %dma_start3A_182 = tpu.memref_squeeze %dma_start3A_181 : memref<1x128xi32, #tpu.memory_space<hbm>> -> memref<128xi32, #tpu.memory_space<hbm>>
      %dma_start3A_183 = arith.constant 0 : i32
      %dma_start3A_184 = tpu.memref_slice %arg3[%add3A_179, %dma_start3A_183] : memref<2560x128xi32, #tpu.memory_space<hbm>> -> memref<1x128xi32, #tpu.memory_space<hbm>>
      %dma_start3A_185 = tpu.memref_squeeze %dma_start3A_184 : memref<1x128xi32, #tpu.memory_space<hbm>> -> memref<128xi32, #tpu.memory_space<hbm>>
      tpu.enqueue_dma source(%dma_start3A_185 : memref<128xi32, #tpu.memory_space<hbm>>) target(%arg7 : memref<128xi32, #tpu.memory_space<vmem>>) target_semaphore(%arg20 : memref<!tpu.dma_semaphore, #tpu.memory_space<semaphore_mem>>)
      %dma_start3A_186 = arith.constant 0 : i32
      %dma_start3A_187 = tpu.memref_slice %arg4[%add3A_179, %dma_start3A_186] : memref<2560x128xi32, #tpu.memory_space<hbm>> -> memref<1x128xi32, #tpu.memory_space<hbm>>
      %dma_start3A_188 = tpu.memref_squeeze %dma_start3A_187 : memref<1x128xi32, #tpu.memory_space<hbm>> -> memref<128xi32, #tpu.memory_space<hbm>>
      %dma_start3A_189 = arith.constant 0 : i32
      %dma_start3A_190 = tpu.memref_slice %arg4[%add3A_179, %dma_start3A_189] : memref<2560x128xi32, #tpu.memory_space<hbm>> -> memref<1x128xi32, #tpu.memory_space<hbm>>
      %dma_start3A_191 = tpu.memref_squeeze %dma_start3A_190 : memref<1x128xi32, #tpu.memory_space<hbm>> -> memref<128xi32, #tpu.memory_space<hbm>>
      tpu.enqueue_dma source(%dma_start3A_191 : memref<128xi32, #tpu.memory_space<hbm>>) target(%arg10 : memref<128xi32, #tpu.memory_space<vmem>>) target_semaphore(%arg23 : memref<!tpu.dma_semaphore, #tpu.memory_space<semaphore_mem>>)
      %add3A_192 = arith.addi %mul3A_18, %add3A_100 : i32
      %add3A_193 = arith.constant 3 : i32
      %add3A_194 = arith.addi %add3A_192, %add3A_193 : i32
      %dma_wait3A_195 = arith.constant 0 : i32
      %dma_wait3A_196 = tpu.memref_slice %arg3[%add3A_194, %dma_wait3A_195] : memref<2560x128xi32, #tpu.memory_space<hbm>> -> memref<1x128xi32, #tpu.memory_space<hbm>>
      %dma_wait3A_197 = tpu.memref_squeeze %dma_wait3A_196 : memref<1x128xi32, #tpu.memory_space<hbm>> -> memref<128xi32, #tpu.memory_space<hbm>>
      %dma_wait3A_198 = arith.constant 0 : i32
      %dma_wait3A_199 = tpu.memref_slice %arg3[%add3A_194, %dma_wait3A_198] : memref<2560x128xi32, #tpu.memory_space<hbm>> -> memref<1x128xi32, #tpu.memory_space<hbm>>
      %dma_wait3A_200 = tpu.memref_squeeze %dma_wait3A_199 : memref<1x128xi32, #tpu.memory_space<hbm>> -> memref<128xi32, #tpu.memory_space<hbm>>
      tpu.wait_dma2 semaphore(%arg19 : memref<!tpu.dma_semaphore, #tpu.memory_space<semaphore_mem>>) src(%dma_wait3A_200 : memref<128xi32, #tpu.memory_space<hbm>>) dst(%arg6 : memref<128xi32, #tpu.memory_space<vmem>>)
      %dma_start3A_201 = arith.constant 0 : i32
      %dma_start3A_202 = arith.constant 0 : i32
      %dma_start3A_203 = tpu.memref_slice %arg2[%dma_start3A_201, %dma_start3A_202] : memref<10240x128xf32, #tpu.memory_space<hbm>> -> memref<10240x128xf32, #tpu.memory_space<hbm>>
      tpu.enqueue_indirect_dma source(%dma_start3A_203 : memref<10240x128xf32, #tpu.memory_space<hbm>>) target(%arg12 : memref<128x128xf32, #tpu.memory_space<vmem>>) offsets(%arg6 : memref<128xi32, #tpu.memory_space<vmem>>) semaphore(%arg16 : memref<!tpu.dma_semaphore, #tpu.memory_space<semaphore_mem>>)
      %add3A_204 = arith.addi %mul3A_18, %add3A_100 : i32
      %add3A_205 = arith.constant 2 : i32
      %add3A_206 = arith.addi %add3A_204, %add3A_205 : i32
      %dma_wait3A_207 = arith.constant 0 : i32
      %dma_wait3A_208 = arith.constant 0 : i32
      %dma_wait3A_209 = tpu.memref_slice %arg2[%dma_wait3A_207, %dma_wait3A_208] : memref<10240x128xf32, #tpu.memory_space<hbm>> -> memref<10240x128xf32, #tpu.memory_space<hbm>>
      tpu.wait_indirect_dma semaphore(%arg18 : memref<!tpu.dma_semaphore, #tpu.memory_space<semaphore_mem>>) src(%dma_wait3A_209 : memref<10240x128xf32, #tpu.memory_space<hbm>>) dst(%arg14 : memref<128x128xf32, #tpu.memory_space<vmem>>)
      %dma_wait3A_210 = arith.constant 0 : i32
      %dma_wait3A_211 = tpu.memref_slice %arg4[%add3A_206, %dma_wait3A_210] : memref<2560x128xi32, #tpu.memory_space<hbm>> -> memref<1x128xi32, #tpu.memory_space<hbm>>
      %dma_wait3A_212 = tpu.memref_squeeze %dma_wait3A_211 : memref<1x128xi32, #tpu.memory_space<hbm>> -> memref<128xi32, #tpu.memory_space<hbm>>
      %dma_wait3A_213 = arith.constant 0 : i32
      %dma_wait3A_214 = tpu.memref_slice %arg4[%add3A_206, %dma_wait3A_213] : memref<2560x128xi32, #tpu.memory_space<hbm>> -> memref<1x128xi32, #tpu.memory_space<hbm>>
      %dma_wait3A_215 = tpu.memref_squeeze %dma_wait3A_214 : memref<1x128xi32, #tpu.memory_space<hbm>> -> memref<128xi32, #tpu.memory_space<hbm>>
      tpu.wait_dma2 semaphore(%arg24 : memref<!tpu.dma_semaphore, #tpu.memory_space<semaphore_mem>>) src(%dma_wait3A_215 : memref<128xi32, #tpu.memory_space<hbm>>) dst(%arg11 : memref<128xi32, #tpu.memory_space<vmem>>)
      "tpu.region"() ({
        %run_scoped3A = tpu.sem_alloc : memref<!tpu.dma_semaphore, #tpu.memory_space<semaphore_mem>>
        %dma_start3A_216 = arith.constant 0 : i32
        %dma_start3A_217 = arith.constant 0 : i32
        %dma_start3A_218 = tpu.memref_slice %arg15[%dma_start3A_216, %dma_start3A_217] : memref<10112x128xf32, #tpu.memory_space<vmem_shared>> -> memref<10112x128xf32, #tpu.memory_space<vmem_shared>>
        tpu.enqueue_indirect_dma source(%arg14 : memref<128x128xf32, #tpu.memory_space<vmem>>) target(%dma_start3A_218 : memref<10112x128xf32, #tpu.memory_space<vmem_shared>>) offsets(%arg11 : memref<128xi32, #tpu.memory_space<vmem>>) semaphore(%run_scoped3A : memref<!tpu.dma_semaphore, #tpu.memory_space<semaphore_mem>>) {add = true}
        %dma_wait3A_219 = arith.constant 0 : i32
        %dma_wait3A_220 = arith.constant 0 : i32
        %dma_wait3A_221 = tpu.memref_slice %arg15[%dma_wait3A_219, %dma_wait3A_220] : memref<10112x128xf32, #tpu.memory_space<vmem_shared>> -> memref<10112x128xf32, #tpu.memory_space<vmem_shared>>
        tpu.wait_indirect_dma semaphore(%run_scoped3A : memref<!tpu.dma_semaphore, #tpu.memory_space<semaphore_mem>>) src(%arg14 : memref<128x128xf32, #tpu.memory_space<vmem>>) dst(%dma_wait3A_221 : memref<10112x128xf32, #tpu.memory_space<vmem_shared>>)
        tpu.yield
      }) : () -> ()
    }
    %scan3A_56 = arith.constant 26 : i32
    %add3A_57 = arith.constant 80 : i32
    %add3A_58 = arith.addi %mul3A_18, %add3A_57 : i32
    %sub3A = arith.constant 1 : i32
    %sub3A_59 = arith.subi %add3A_58, %sub3A : i32
    %dma_wait3A_60 = arith.constant 0 : i32
    %dma_wait3A_61 = tpu.memref_slice %arg3[%sub3A_59, %dma_wait3A_60] : memref<2560x128xi32, #tpu.memory_space<hbm>> -> memref<1x128xi32, #tpu.memory_space<hbm>>
    %dma_wait3A_62 = tpu.memref_squeeze %dma_wait3A_61 : memref<1x128xi32, #tpu.memory_space<hbm>> -> memref<128xi32, #tpu.memory_space<hbm>>
    %dma_wait3A_63 = arith.constant 0 : i32
    %dma_wait3A_64 = tpu.memref_slice %arg3[%sub3A_59, %dma_wait3A_63] : memref<2560x128xi32, #tpu.memory_space<hbm>> -> memref<1x128xi32, #tpu.memory_space<hbm>>
    %dma_wait3A_65 = tpu.memref_squeeze %dma_wait3A_64 : memref<1x128xi32, #tpu.memory_space<hbm>> -> memref<128xi32, #tpu.memory_space<hbm>>
    tpu.wait_dma2 semaphore(%arg20 : memref<!tpu.dma_semaphore, #tpu.memory_space<semaphore_mem>>) src(%dma_wait3A_65 : memref<128xi32, #tpu.memory_space<hbm>>) dst(%arg7 : memref<128xi32, #tpu.memory_space<vmem>>)
    %dma_start3A_66 = arith.constant 0 : i32
    %dma_start3A_67 = arith.constant 0 : i32
    %dma_start3A_68 = tpu.memref_slice %arg2[%dma_start3A_66, %dma_start3A_67] : memref<10240x128xf32, #tpu.memory_space<hbm>> -> memref<10240x128xf32, #tpu.memory_space<hbm>>
    tpu.enqueue_indirect_dma source(%dma_start3A_68 : memref<10240x128xf32, #tpu.memory_space<hbm>>) target(%arg13 : memref<128x128xf32, #tpu.memory_space<vmem>>) offsets(%arg7 : memref<128xi32, #tpu.memory_space<vmem>>) semaphore(%arg17 : memref<!tpu.dma_semaphore, #tpu.memory_space<semaphore_mem>>)
    %add3A_69 = arith.constant 80 : i32
    %add3A_70 = arith.addi %mul3A_18, %add3A_69 : i32
    %sub3A_71 = arith.constant 2 : i32
    %sub3A_72 = arith.subi %add3A_70, %sub3A_71 : i32
    %dma_wait3A_73 = arith.constant 0 : i32
    %dma_wait3A_74 = arith.constant 0 : i32
    %dma_wait3A_75 = tpu.memref_slice %arg2[%dma_wait3A_73, %dma_wait3A_74] : memref<10240x128xf32, #tpu.memory_space<hbm>> -> memref<10240x128xf32, #tpu.memory_space<hbm>>
    tpu.wait_indirect_dma semaphore(%arg16 : memref<!tpu.dma_semaphore, #tpu.memory_space<semaphore_mem>>) src(%dma_wait3A_75 : memref<10240x128xf32, #tpu.memory_space<hbm>>) dst(%arg12 : memref<128x128xf32, #tpu.memory_space<vmem>>)
    %dma_wait3A_76 = arith.constant 0 : i32
    %dma_wait3A_77 = tpu.memref_slice %arg4[%sub3A_72, %dma_wait3A_76] : memref<2560x128xi32, #tpu.memory_space<hbm>> -> memref<1x128xi32, #tpu.memory_space<hbm>>
    %dma_wait3A_78 = tpu.memref_squeeze %dma_wait3A_77 : memref<1x128xi32, #tpu.memory_space<hbm>> -> memref<128xi32, #tpu.memory_space<hbm>>
    %dma_wait3A_79 = arith.constant 0 : i32
    %dma_wait3A_80 = tpu.memref_slice %arg4[%sub3A_72, %dma_wait3A_79] : memref<2560x128xi32, #tpu.memory_space<hbm>> -> memref<1x128xi32, #tpu.memory_space<hbm>>
    %dma_wait3A_81 = tpu.memref_squeeze %dma_wait3A_80 : memref<1x128xi32, #tpu.memory_space<hbm>> -> memref<128xi32, #tpu.memory_space<hbm>>
    tpu.wait_dma2 semaphore(%arg22 : memref<!tpu.dma_semaphore, #tpu.memory_space<semaphore_mem>>) src(%dma_wait3A_81 : memref<128xi32, #tpu.memory_space<hbm>>) dst(%arg9 : memref<128xi32, #tpu.memory_space<vmem>>)
    "tpu.region"() ({
      %run_scoped3A = tpu.sem_alloc : memref<!tpu.dma_semaphore, #tpu.memory_space<semaphore_mem>>
      %dma_start3A_96 = arith.constant 0 : i32
      %dma_start3A_97 = arith.constant 0 : i32
      %dma_start3A_98 = tpu.memref_slice %arg15[%dma_start3A_96, %dma_start3A_97] : memref<10112x128xf32, #tpu.memory_space<vmem_shared>> -> memref<10112x128xf32, #tpu.memory_space<vmem_shared>>
      tpu.enqueue_indirect_dma source(%arg12 : memref<128x128xf32, #tpu.memory_space<vmem>>) target(%dma_start3A_98 : memref<10112x128xf32, #tpu.memory_space<vmem_shared>>) offsets(%arg9 : memref<128xi32, #tpu.memory_space<vmem>>) semaphore(%run_scoped3A : memref<!tpu.dma_semaphore, #tpu.memory_space<semaphore_mem>>) {add = true}
      %dma_wait3A_99 = arith.constant 0 : i32
      %dma_wait3A_100 = arith.constant 0 : i32
      %dma_wait3A_101 = tpu.memref_slice %arg15[%dma_wait3A_99, %dma_wait3A_100] : memref<10112x128xf32, #tpu.memory_space<vmem_shared>> -> memref<10112x128xf32, #tpu.memory_space<vmem_shared>>
      tpu.wait_indirect_dma semaphore(%run_scoped3A : memref<!tpu.dma_semaphore, #tpu.memory_space<semaphore_mem>>) src(%arg12 : memref<128x128xf32, #tpu.memory_space<vmem>>) dst(%dma_wait3A_101 : memref<10112x128xf32, #tpu.memory_space<vmem_shared>>)
      tpu.yield
    }) : () -> ()
    %add3A_82 = arith.constant 80 : i32
    %add3A_83 = arith.addi %mul3A_18, %add3A_82 : i32
    %sub3A_84 = arith.constant 1 : i32
    %sub3A_85 = arith.subi %add3A_83, %sub3A_84 : i32
    %dma_wait3A_86 = arith.constant 0 : i32
    %dma_wait3A_87 = arith.constant 0 : i32
    %dma_wait3A_88 = tpu.memref_slice %arg2[%dma_wait3A_86, %dma_wait3A_87] : memref<10240x128xf32, #tpu.memory_space<hbm>> -> memref<10240x128xf32, #tpu.memory_space<hbm>>
    tpu.wait_indirect_dma semaphore(%arg17 : memref<!tpu.dma_semaphore, #tpu.memory_space<semaphore_mem>>) src(%dma_wait3A_88 : memref<10240x128xf32, #tpu.memory_space<hbm>>) dst(%arg13 : memref<128x128xf32, #tpu.memory_space<vmem>>)
    %dma_wait3A_89 = arith.constant 0 : i32
    %dma_wait3A_90 = tpu.memref_slice %arg4[%sub3A_85, %dma_wait3A_89] : memref<2560x128xi32, #tpu.memory_space<hbm>> -> memref<1x128xi32, #tpu.memory_space<hbm>>
    %dma_wait3A_91 = tpu.memref_squeeze %dma_wait3A_90 : memref<1x128xi32, #tpu.memory_space<hbm>> -> memref<128xi32, #tpu.memory_space<hbm>>
    %dma_wait3A_92 = arith.constant 0 : i32
    %dma_wait3A_93 = tpu.memref_slice %arg4[%sub3A_85, %dma_wait3A_92] : memref<2560x128xi32, #tpu.memory_space<hbm>> -> memref<1x128xi32, #tpu.memory_space<hbm>>
    %dma_wait3A_94 = tpu.memref_squeeze %dma_wait3A_93 : memref<1x128xi32, #tpu.memory_space<hbm>> -> memref<128xi32, #tpu.memory_space<hbm>>
    tpu.wait_dma2 semaphore(%arg23 : memref<!tpu.dma_semaphore, #tpu.memory_space<semaphore_mem>>) src(%dma_wait3A_94 : memref<128xi32, #tpu.memory_space<hbm>>) dst(%arg10 : memref<128xi32, #tpu.memory_space<vmem>>)
    "tpu.region"() ({
      %run_scoped3A = tpu.sem_alloc : memref<!tpu.dma_semaphore, #tpu.memory_space<semaphore_mem>>
      %dma_start3A_96 = arith.constant 0 : i32
      %dma_start3A_97 = arith.constant 0 : i32
      %dma_start3A_98 = tpu.memref_slice %arg15[%dma_start3A_96, %dma_start3A_97] : memref<10112x128xf32, #tpu.memory_space<vmem_shared>> -> memref<10112x128xf32, #tpu.memory_space<vmem_shared>>
      tpu.enqueue_indirect_dma source(%arg13 : memref<128x128xf32, #tpu.memory_space<vmem>>) target(%dma_start3A_98 : memref<10112x128xf32, #tpu.memory_space<vmem_shared>>) offsets(%arg10 : memref<128xi32, #tpu.memory_space<vmem>>) semaphore(%run_scoped3A : memref<!tpu.dma_semaphore, #tpu.memory_space<semaphore_mem>>) {add = true}
      %dma_wait3A_99 = arith.constant 0 : i32
      %dma_wait3A_100 = arith.constant 0 : i32
      %dma_wait3A_101 = tpu.memref_slice %arg15[%dma_wait3A_99, %dma_wait3A_100] : memref<10112x128xf32, #tpu.memory_space<vmem_shared>> -> memref<10112x128xf32, #tpu.memory_space<vmem_shared>>
      tpu.wait_indirect_dma semaphore(%run_scoped3A : memref<!tpu.dma_semaphore, #tpu.memory_space<semaphore_mem>>) src(%arg13 : memref<128x128xf32, #tpu.memory_space<vmem>>) dst(%dma_wait3A_101 : memref<10112x128xf32, #tpu.memory_space<vmem_shared>>)
      tpu.yield
    }) : () -> ()
    %barrier3A_95 = arith.constant 0 : index
    tpu.barrier barrier_id(%barrier3A_95)
    "tpu.region"() ({
      %run_scoped3A = tpu.sem_alloc : memref<!tpu.dma_semaphore, #tpu.memory_space<semaphore_mem>>
      %dma_start3A_96 = arith.constant 0 : i32
      %dma_start3A_97 = tpu.memref_slice %arg5[%arg0, %mul3A_6, %dma_start3A_96] : memref<2x10240x128xf32, #tpu.memory_space<hbm>> -> memref<1x632x128xf32, #tpu.memory_space<hbm>>
      %dma_start3A_98 = tpu.memref_squeeze %dma_start3A_97 : memref<1x632x128xf32, #tpu.memory_space<hbm>> -> memref<632x128xf32, #tpu.memory_space<hbm>>
      %dma_start3A_99 = arith.constant 0 : i32
      %dma_start3A_100 = tpu.memref_slice %arg15[%mul3A_6, %dma_start3A_99] : memref<10112x128xf32, #tpu.memory_space<vmem_shared>> -> memref<632x128xf32, #tpu.memory_space<vmem_shared>>
      tpu.enqueue_dma source(%dma_start3A_100 : memref<632x128xf32, #tpu.memory_space<vmem_shared>>) target(%dma_start3A_98 : memref<632x128xf32, #tpu.memory_space<hbm>>) target_semaphore(%run_scoped3A : memref<!tpu.dma_semaphore, #tpu.memory_space<semaphore_mem>>)
      %dma_wait3A_101 = arith.constant 0 : i32
      %dma_wait3A_102 = tpu.memref_slice %arg5[%arg0, %mul3A_6, %dma_wait3A_101] : memref<2x10240x128xf32, #tpu.memory_space<hbm>> -> memref<1x632x128xf32, #tpu.memory_space<hbm>>
      %dma_wait3A_103 = tpu.memref_squeeze %dma_wait3A_102 : memref<1x632x128xf32, #tpu.memory_space<hbm>> -> memref<632x128xf32, #tpu.memory_space<hbm>>
      %dma_wait3A_104 = arith.constant 0 : i32
      %dma_wait3A_105 = tpu.memref_slice %arg15[%mul3A_6, %dma_wait3A_104] : memref<10112x128xf32, #tpu.memory_space<vmem_shared>> -> memref<632x128xf32, #tpu.memory_space<vmem_shared>>
      tpu.wait_dma2 semaphore(%run_scoped3A : memref<!tpu.dma_semaphore, #tpu.memory_space<semaphore_mem>>) src(%dma_wait3A_105 : memref<632x128xf32, #tpu.memory_space<vmem_shared>>) dst(%dma_wait3A_103 : memref<632x128xf32, #tpu.memory_space<hbm>>)
      tpu.yield
    }) : () -> ()
    return
  }
}

#map = affine_map<(d0, d1) -> (0, 0)>
#map1 = affine_map<(d0, d1) -> (0, 0, 0)>
module attributes {stable_mosaic.version = 14 : i64} {
  func.func @k(%arg0: i32, %arg1: i32, %arg2: memref<10240x128xf32, #tpu.memory_space<hbm>>, %arg3: memref<2560x128xi32, #tpu.memory_space<hbm>>, %arg4: memref<2560x128xi32, #tpu.memory_space<hbm>>, %arg5: memref<2x10240x128xf32, #tpu.memory_space<hbm>>, %arg6: memref<128xi32, #tpu.memory_space<vmem>>, %arg7: memref<128xi32, #tpu.memory_space<vmem>>, %arg8: memref<128xi32, #tpu.memory_space<vmem>>, %arg9: memref<128xi32, #tpu.memory_space<vmem>>, %arg10: memref<128xi32, #tpu.memory_space<vmem>>, %arg11: memref<128xi32, #tpu.memory_space<vmem>>, %arg12: memref<128x128xf32, #tpu.memory_space<vmem>>, %arg13: memref<128x128xf32, #tpu.memory_space<vmem>>, %arg14: memref<128x128xf32, #tpu.memory_space<vmem>>, %arg15: memref<10112x128xf32, #tpu.memory_space<vmem_shared>>, %arg16: memref<!tpu.dma_semaphore, #tpu.memory_space<semaphore_mem>>, %arg17: memref<!tpu.dma_semaphore, #tpu.memory_space<semaphore_mem>>, %arg18: memref<!tpu.dma_semaphore, #tpu.memory_space<semaphore_mem>>, %arg19: memref<!tpu.dma_semaphore, #tpu.memory_space<semaphore_mem>>, %arg20: memref<!tpu.dma_semaphore, #tpu.memory_space<semaphore_mem>>, %arg21: memref<!tpu.dma_semaphore, #tpu.memory_space<semaphore_mem>>, %arg22: memref<!tpu.dma_semaphore, #tpu.memory_space<semaphore_mem>>, %arg23: memref<!tpu.dma_semaphore, #tpu.memory_space<semaphore_mem>>, %arg24: memref<!tpu.dma_semaphore, #tpu.memory_space<semaphore_mem>>) attributes {dimension_semantics = [#tpu.dimension_semantics<core_parallel>, #tpu.dimension_semantics<subcore_parallel>], iteration_bounds = array<i64: 2, 16>, scalar_prefetch = 0 : i64, scratch_operands = 19 : i64, tpu.core_type = #tpu.core_type<sc_vector_subcore>, window_params = [{transform_indices = #map}, {transform_indices = #map}, {transform_indices = #map}, {transform_indices = #map1}]} {
    %mul3A = arith.constant 16 : i32
    %mul3A_0 = arith.muli %arg0, %mul3A : i32
    %add3A = arith.addi %mul3A_0, %arg1 : i32
    %scan3A = arith.constant 0 : i32
    %scan3A_1 = arith.constant 128 : i32
    %scan3A_2 = arith.addi %scan3A, %scan3A_1 : i32
    %scan3A_3 = arith.constant 1 : i32
    scf.for %scan3A_96 = %scan3A to %scan3A_2 step %scan3A_3  : i32 {
      %mul3A_97 = arith.constant 1 : i32
      %mul3A_98 = arith.muli %scan3A_96, %mul3A_97 : i32
      %add3A_99 = arith.constant 0 : i32
      %add3A_100 = arith.addi %add3A_99, %mul3A_98 : i32
      %scan3A_101 = arith.constant 0 : i32
      %scan3A_102 = arith.constant 8 : i32
      %scan3A_103 = arith.addi %scan3A_101, %scan3A_102 : i32
      %scan3A_104 = arith.constant 1 : i32
      scf.for %scan3A_106 = %scan3A_101 to %scan3A_103 step %scan3A_104  : i32 {
        %mul3A_107 = arith.constant 16 : i32
        %mul3A_108 = arith.muli %scan3A_106, %mul3A_107 : i32
        %add3A_109 = arith.constant 0 : i32
        %add3A_110 = arith.addi %add3A_109, %mul3A_108 : i32
        %broadcast_in_dim3A = arith.constant 0.000000e+00 : f32
        %broadcast_in_dim3A_111 = vector.broadcast %broadcast_in_dim3A : f32 to vector<16xf32>
        %swap3A = arith.index_cast %add3A_100 : i32 to index
        %swap3A_112 = arith.index_cast %add3A_110 : i32 to index
        %swap3A_113 = tpu.vector_load %arg12[%swap3A, %swap3A_112] {strides = array<i32>} : memref<128x128xf32, #tpu.memory_space<vmem>>, vector<1x16xf32>,
        %swap3A_114 = vector.shape_cast %swap3A_113 : vector<1x16xf32> to vector<16xf32>
        %swap3A_115 = vector.shape_cast %broadcast_in_dim3A_111 : vector<16xf32> to vector<1x16xf32>
        tpu.vector_store %arg12[%swap3A, %swap3A_112], %swap3A_115 {strides = array<i32>} : memref<128x128xf32, #tpu.memory_space<vmem>>, vector<1x16xf32>,
      }
      %scan3A_105 = arith.constant 8 : i32
    }
    %scan3A_4 = arith.constant 128 : i32
    %mul3A_5 = arith.constant 632 : i32
    %mul3A_6 = arith.muli %arg1, %mul3A_5 : i32
    %add3A_7 = arith.constant 0 : i32
    %add3A_8 = arith.addi %mul3A_6, %add3A_7 : i32
    "tpu.region"() ({
      %run_scoped3A = tpu.sem_alloc : memref<!tpu.dma_semaphore, #tpu.memory_space<semaphore_mem>>
      %dma_start3A_96 = arith.constant 0 : i32
      %dma_start3A_97 = tpu.memref_slice %arg15[%add3A_8, %dma_start3A_96] : memref<10112x128xf32, #tpu.memory_space<vmem_shared>> -> memref<128x128xf32, #tpu.memory_space<vmem_shared>>
      %dma_start3A_98 = arith.constant 0 : i32
      %dma_start3A_99 = tpu.memref_slice %arg15[%add3A_8, %dma_start3A_98] : memref<10112x128xf32, #tpu.memory_space<vmem_shared>> -> memref<128x128xf32, #tpu.memory_space<vmem_shared>>
      tpu.enqueue_dma source(%arg12 : memref<128x128xf32, #tpu.memory_space<vmem>>) target(%dma_start3A_99 : memref<128x128xf32, #tpu.memory_space<vmem_shared>>) target_semaphore(%run_scoped3A : memref<!tpu.dma_semaphore, #tpu.memory_space<semaphore_mem>>)
      %dma_wait3A_100 = arith.constant 0 : i32
      %dma_wait3A_101 = tpu.memref_slice %arg15[%add3A_8, %dma_wait3A_100] : memref<10112x128xf32, #tpu.memory_space<vmem_shared>> -> memref<128x128xf32, #tpu.memory_space<vmem_shared>>
      %dma_wait3A_102 = arith.constant 0 : i32
      %dma_wait3A_103 = tpu.memref_slice %arg15[%add3A_8, %dma_wait3A_102] : memref<10112x128xf32, #tpu.memory_space<vmem_shared>> -> memref<128x128xf32, #tpu.memory_space<vmem_shared>>
      tpu.wait_dma2 semaphore(%run_scoped3A : memref<!tpu.dma_semaphore, #tpu.memory_space<semaphore_mem>>) src(%arg12 : memref<128x128xf32, #tpu.memory_space<vmem>>) dst(%dma_wait3A_103 : memref<128x128xf32, #tpu.memory_space<vmem_shared>>)
      tpu.yield
    }) : () -> ()
    %add3A_9 = arith.constant 128 : i32
    %add3A_10 = arith.addi %mul3A_6, %add3A_9 : i32
    "tpu.region"() ({
      %run_scoped3A = tpu.sem_alloc : memref<!tpu.dma_semaphore, #tpu.memory_space<semaphore_mem>>
      %dma_start3A_96 = arith.constant 0 : i32
      %dma_start3A_97 = tpu.memref_slice %arg15[%add3A_10, %dma_start3A_96] : memref<10112x128xf32, #tpu.memory_space<vmem_shared>> -> memref<128x128xf32, #tpu.memory_space<vmem_shared>>
      %dma_start3A_98 = arith.constant 0 : i32
      %dma_start3A_99 = tpu.memref_slice %arg15[%add3A_10, %dma_start3A_98] : memref<10112x128xf32, #tpu.memory_space<vmem_shared>> -> memref<128x128xf32, #tpu.memory_space<vmem_shared>>
      tpu.enqueue_dma source(%arg12 : memref<128x128xf32, #tpu.memory_space<vmem>>) target(%dma_start3A_99 : memref<128x128xf32, #tpu.memory_space<vmem_shared>>) target_semaphore(%run_scoped3A : memref<!tpu.dma_semaphore, #tpu.memory_space<semaphore_mem>>)
      %dma_wait3A_100 = arith.constant 0 : i32
      %dma_wait3A_101 = tpu.memref_slice %arg15[%add3A_10, %dma_wait3A_100] : memref<10112x128xf32, #tpu.memory_space<vmem_shared>> -> memref<128x128xf32, #tpu.memory_space<vmem_shared>>
      %dma_wait3A_102 = arith.constant 0 : i32
      %dma_wait3A_103 = tpu.memref_slice %arg15[%add3A_10, %dma_wait3A_102] : memref<10112x128xf32, #tpu.memory_space<vmem_shared>> -> memref<128x128xf32, #tpu.memory_space<vmem_shared>>
      tpu.wait_dma2 semaphore(%run_scoped3A : memref<!tpu.dma_semaphore, #tpu.memory_space<semaphore_mem>>) src(%arg12 : memref<128x128xf32, #tpu.memory_space<vmem>>) dst(%dma_wait3A_103 : memref<128x128xf32, #tpu.memory_space<vmem_shared>>)
      tpu.yield
    }) : () -> ()
    %add3A_11 = arith.constant 256 : i32
    %add3A_12 = arith.addi %mul3A_6, %add3A_11 : i32
    "tpu.region"() ({
      %run_scoped3A = tpu.sem_alloc : memref<!tpu.dma_semaphore, #tpu.memory_space<semaphore_mem>>
      %dma_start3A_96 = arith.constant 0 : i32
      %dma_start3A_97 = tpu.memref_slice %arg15[%add3A_12, %dma_start3A_96] : memref<10112x128xf32, #tpu.memory_space<vmem_shared>> -> memref<128x128xf32, #tpu.memory_space<vmem_shared>>
      %dma_start3A_98 = arith.constant 0 : i32
      %dma_start3A_99 = tpu.memref_slice %arg15[%add3A_12, %dma_start3A_98] : memref<10112x128xf32, #tpu.memory_space<vmem_shared>> -> memref<128x128xf32, #tpu.memory_space<vmem_shared>>
      tpu.enqueue_dma source(%arg12 : memref<128x128xf32, #tpu.memory_space<vmem>>) target(%dma_start3A_99 : memref<128x128xf32, #tpu.memory_space<vmem_shared>>) target_semaphore(%run_scoped3A : memref<!tpu.dma_semaphore, #tpu.memory_space<semaphore_mem>>)
      %dma_wait3A_100 = arith.constant 0 : i32
      %dma_wait3A_101 = tpu.memref_slice %arg15[%add3A_12, %dma_wait3A_100] : memref<10112x128xf32, #tpu.memory_space<vmem_shared>> -> memref<128x128xf32, #tpu.memory_space<vmem_shared>>
      %dma_wait3A_102 = arith.constant 0 : i32
      %dma_wait3A_103 = tpu.memref_slice %arg15[%add3A_12, %dma_wait3A_102] : memref<10112x128xf32, #tpu.memory_space<vmem_shared>> -> memref<128x128xf32, #tpu.memory_space<vmem_shared>>
      tpu.wait_dma2 semaphore(%run_scoped3A : memref<!tpu.dma_semaphore, #tpu.memory_space<semaphore_mem>>) src(%arg12 : memref<128x128xf32, #tpu.memory_space<vmem>>) dst(%dma_wait3A_103 : memref<128x128xf32, #tpu.memory_space<vmem_shared>>)
      tpu.yield
    }) : () -> ()
    %add3A_13 = arith.constant 384 : i32
    %add3A_14 = arith.addi %mul3A_6, %add3A_13 : i32
    "tpu.region"() ({
      %run_scoped3A = tpu.sem_alloc : memref<!tpu.dma_semaphore, #tpu.memory_space<semaphore_mem>>
      %dma_start3A_96 = arith.constant 0 : i32
      %dma_start3A_97 = tpu.memref_slice %arg15[%add3A_14, %dma_start3A_96] : memref<10112x128xf32, #tpu.memory_space<vmem_shared>> -> memref<128x128xf32, #tpu.memory_space<vmem_shared>>
      %dma_start3A_98 = arith.constant 0 : i32
      %dma_start3A_99 = tpu.memref_slice %arg15[%add3A_14, %dma_start3A_98] : memref<10112x128xf32, #tpu.memory_space<vmem_shared>> -> memref<128x128xf32, #tpu.memory_space<vmem_shared>>
      tpu.enqueue_dma source(%arg12 : memref<128x128xf32, #tpu.memory_space<vmem>>) target(%dma_start3A_99 : memref<128x128xf32, #tpu.memory_space<vmem_shared>>) target_semaphore(%run_scoped3A : memref<!tpu.dma_semaphore, #tpu.memory_space<semaphore_mem>>)
      %dma_wait3A_100 = arith.constant 0 : i32
      %dma_wait3A_101 = tpu.memref_slice %arg15[%add3A_14, %dma_wait3A_100] : memref<10112x128xf32, #tpu.memory_space<vmem_shared>> -> memref<128x128xf32, #tpu.memory_space<vmem_shared>>
      %dma_wait3A_102 = arith.constant 0 : i32
      %dma_wait3A_103 = tpu.memref_slice %arg15[%add3A_14, %dma_wait3A_102] : memref<10112x128xf32, #tpu.memory_space<vmem_shared>> -> memref<128x128xf32, #tpu.memory_space<vmem_shared>>
      tpu.wait_dma2 semaphore(%run_scoped3A : memref<!tpu.dma_semaphore, #tpu.memory_space<semaphore_mem>>) src(%arg12 : memref<128x128xf32, #tpu.memory_space<vmem>>) dst(%dma_wait3A_103 : memref<128x128xf32, #tpu.memory_space<vmem_shared>>)
      tpu.yield
    }) : () -> ()
    %add3A_15 = arith.constant 512 : i32
    %add3A_16 = arith.addi %mul3A_6, %add3A_15 : i32
    "tpu.region"() ({
      %run_scoped3A = tpu.sem_alloc : memref<!tpu.dma_semaphore, #tpu.memory_space<semaphore_mem>>
      %dma_start3A_96 = arith.constant 0 : i32
      %dma_start3A_97 = arith.constant 0 : i32
      %dma_start3A_98 = tpu.memref_slice %arg12[%dma_start3A_96, %dma_start3A_97] : memref<128x128xf32, #tpu.memory_space<vmem>> -> memref<120x128xf32, #tpu.memory_space<vmem>>
      %dma_start3A_99 = arith.constant 0 : i32
      %dma_start3A_100 = tpu.memref_slice %arg15[%add3A_16, %dma_start3A_99] : memref<10112x128xf32, #tpu.memory_space<vmem_shared>> -> memref<120x128xf32, #tpu.memory_space<vmem_shared>>
      %dma_start3A_101 = arith.constant 0 : i32
      %dma_start3A_102 = tpu.memref_slice %arg15[%add3A_16, %dma_start3A_101] : memref<10112x128xf32, #tpu.memory_space<vmem_shared>> -> memref<120x128xf32, #tpu.memory_space<vmem_shared>>
      %dma_start3A_103 = arith.constant 0 : i32
      %dma_start3A_104 = arith.constant 0 : i32
      %dma_start3A_105 = tpu.memref_slice %arg12[%dma_start3A_103, %dma_start3A_104] : memref<128x128xf32, #tpu.memory_space<vmem>> -> memref<120x128xf32, #tpu.memory_space<vmem>>
      tpu.enqueue_dma source(%dma_start3A_105 : memref<120x128xf32, #tpu.memory_space<vmem>>) target(%dma_start3A_102 : memref<120x128xf32, #tpu.memory_space<vmem_shared>>) target_semaphore(%run_scoped3A : memref<!tpu.dma_semaphore, #tpu.memory_space<semaphore_mem>>)
      %dma_wait3A_106 = arith.constant 0 : i32
      %dma_wait3A_107 = arith.constant 0 : i32
      %dma_wait3A_108 = tpu.memref_slice %arg12[%dma_wait3A_106, %dma_wait3A_107] : memref<128x128xf32, #tpu.memory_space<vmem>> -> memref<120x128xf32, #tpu.memory_space<vmem>>
      %dma_wait3A_109 = arith.constant 0 : i32
      %dma_wait3A_110 = tpu.memref_slice %arg15[%add3A_16, %dma_wait3A_109] : memref<10112x128xf32, #tpu.memory_space<vmem_shared>> -> memref<120x128xf32, #tpu.memory_space<vmem_shared>>
      %dma_wait3A_111 = arith.constant 0 : i32
      %dma_wait3A_112 = tpu.memref_slice %arg15[%add3A_16, %dma_wait3A_111] : memref<10112x128xf32, #tpu.memory_space<vmem_shared>> -> memref<120x128xf32, #tpu.memory_space<vmem_shared>>
      %dma_wait3A_113 = arith.constant 0 : i32
      %dma_wait3A_114 = arith.constant 0 : i32
      %dma_wait3A_115 = tpu.memref_slice %arg12[%dma_wait3A_113, %dma_wait3A_114] : memref<128x128xf32, #tpu.memory_space<vmem>> -> memref<120x128xf32, #tpu.memory_space<vmem>>
      tpu.wait_dma2 semaphore(%run_scoped3A : memref<!tpu.dma_semaphore, #tpu.memory_space<semaphore_mem>>) src(%dma_wait3A_115 : memref<120x128xf32, #tpu.memory_space<vmem>>) dst(%dma_wait3A_112 : memref<120x128xf32, #tpu.memory_space<vmem_shared>>)
      tpu.yield
    }) : () -> ()
    %barrier3A = arith.constant 0 : index
    tpu.barrier barrier_id(%barrier3A)
    %mul3A_17 = arith.constant 80 : i32
    %mul3A_18 = arith.muli %add3A, %mul3A_17 : i32
    %dma_start3A = arith.constant 0 : i32
    %dma_start3A_19 = tpu.memref_slice %arg3[%mul3A_18, %dma_start3A] : memref<2560x128xi32, #tpu.memory_space<hbm>> -> memref<1x128xi32, #tpu.memory_space<hbm>>
    %dma_start3A_20 = tpu.memref_squeeze %dma_start3A_19 : memref<1x128xi32, #tpu.memory_space<hbm>> -> memref<128xi32, #tpu.memory_space<hbm>>
    %dma_start3A_21 = arith.constant 0 : i32
    %dma_start3A_22 = tpu.memref_slice %arg3[%mul3A_18, %dma_start3A_21] : memref<2560x128xi32, #tpu.memory_space<hbm>> -> memref<1x128xi32, #tpu.memory_space<hbm>>
    %dma_start3A_23 = tpu.memref_squeeze %dma_start3A_22 : memref<1x128xi32, #tpu.memory_space<hbm>> -> memref<128xi32, #tpu.memory_space<hbm>>
    tpu.enqueue_dma source(%dma_start3A_23 : memref<128xi32, #tpu.memory_space<hbm>>) target(%arg6 : memref<128xi32, #tpu.memory_space<vmem>>) target_semaphore(%arg19 : memref<!tpu.dma_semaphore, #tpu.memory_space<semaphore_mem>>)
    %dma_start3A_24 = arith.constant 0 : i32
    %dma_start3A_25 = tpu.memref_slice %arg4[%mul3A_18, %dma_start3A_24] : memref<2560x128xi32, #tpu.memory_space<hbm>> -> memref<1x128xi32, #tpu.memory_space<hbm>>
    %dma_start3A_26 = tpu.memref_squeeze %dma_start3A_25 : memref<1x128xi32, #tpu.memory_space<hbm>> -> memref<128xi32, #tpu.memory_space<hbm>>
    %dma_start3A_27 = arith.constant 0 : i32
    %dma_start3A_28 = tpu.memref_slice %arg4[%mul3A_18, %dma_start3A_27] : memref<2560x128xi32, #tpu.memory_space<hbm>> -> memref<1x128xi32, #tpu.memory_space<hbm>>
    %dma_start3A_29 = tpu.memref_squeeze %dma_start3A_28 : memref<1x128xi32, #tpu.memory_space<hbm>> -> memref<128xi32, #tpu.memory_space<hbm>>
    tpu.enqueue_dma source(%dma_start3A_29 : memref<128xi32, #tpu.memory_space<hbm>>) target(%arg9 : memref<128xi32, #tpu.memory_space<vmem>>) target_semaphore(%arg22 : memref<!tpu.dma_semaphore, #tpu.memory_space<semaphore_mem>>)
    %add3A_30 = arith.constant 1 : i32
    %add3A_31 = arith.addi %mul3A_18, %add3A_30 : i32
    %dma_start3A_32 = arith.constant 0 : i32
    %dma_start3A_33 = tpu.memref_slice %arg3[%add3A_31, %dma_start3A_32] : memref<2560x128xi32, #tpu.memory_space<hbm>> -> memref<1x128xi32, #tpu.memory_space<hbm>>
    %dma_start3A_34 = tpu.memref_squeeze %dma_start3A_33 : memref<1x128xi32, #tpu.memory_space<hbm>> -> memref<128xi32, #tpu.memory_space<hbm>>
    %dma_start3A_35 = arith.constant 0 : i32
    %dma_start3A_36 = tpu.memref_slice %arg3[%add3A_31, %dma_start3A_35] : memref<2560x128xi32, #tpu.memory_space<hbm>> -> memref<1x128xi32, #tpu.memory_space<hbm>>
    %dma_start3A_37 = tpu.memref_squeeze %dma_start3A_36 : memref<1x128xi32, #tpu.memory_space<hbm>> -> memref<128xi32, #tpu.memory_space<hbm>>
    tpu.enqueue_dma source(%dma_start3A_37 : memref<128xi32, #tpu.memory_space<hbm>>) target(%arg7 : memref<128xi32, #tpu.memory_space<vmem>>) target_semaphore(%arg20 : memref<!tpu.dma_semaphore, #tpu.memory_space<semaphore_mem>>)
    %dma_start3A_38 = arith.constant 0 : i32
    %dma_start3A_39 = tpu.memref_slice %arg4[%add3A_31, %dma_start3A_38] : memref<2560x128xi32, #tpu.memory_space<hbm>> -> memref<1x128xi32, #tpu.memory_space<hbm>>
    %dma_start3A_40 = tpu.memref_squeeze %dma_start3A_39 : memref<1x128xi32, #tpu.memory_space<hbm>> -> memref<128xi32, #tpu.memory_space<hbm>>
    %dma_start3A_41 = arith.constant 0 : i32
    %dma_start3A_42 = tpu.memref_slice %arg4[%add3A_31, %dma_start3A_41] : memref<2560x128xi32, #tpu.memory_space<hbm>> -> memref<1x128xi32, #tpu.memory_space<hbm>>
    %dma_start3A_43 = tpu.memref_squeeze %dma_start3A_42 : memref<1x128xi32, #tpu.memory_space<hbm>> -> memref<128xi32, #tpu.memory_space<hbm>>
    tpu.enqueue_dma source(%dma_start3A_43 : memref<128xi32, #tpu.memory_space<hbm>>) target(%arg10 : memref<128xi32, #tpu.memory_space<vmem>>) target_semaphore(%arg23 : memref<!tpu.dma_semaphore, #tpu.memory_space<semaphore_mem>>)
    %dma_wait3A = arith.constant 0 : i32
    %dma_wait3A_44 = tpu.memref_slice %arg3[%mul3A_18, %dma_wait3A] : memref<2560x128xi32, #tpu.memory_space<hbm>> -> memref<1x128xi32, #tpu.memory_space<hbm>>
    %dma_wait3A_45 = tpu.memref_squeeze %dma_wait3A_44 : memref<1x128xi32, #tpu.memory_space<hbm>> -> memref<128xi32, #tpu.memory_space<hbm>>
    %dma_wait3A_46 = arith.constant 0 : i32
    %dma_wait3A_47 = tpu.memref_slice %arg3[%mul3A_18, %dma_wait3A_46] : memref<2560x128xi32, #tpu.memory_space<hbm>> -> memref<1x128xi32, #tpu.memory_space<hbm>>
    %dma_wait3A_48 = tpu.memref_squeeze %dma_wait3A_47 : memref<1x128xi32, #tpu.memory_space<hbm>> -> memref<128xi32, #tpu.memory_space<hbm>>
    tpu.wait_dma2 semaphore(%arg19 : memref<!tpu.dma_semaphore, #tpu.memory_space<semaphore_mem>>) src(%dma_wait3A_48 : memref<128xi32, #tpu.memory_space<hbm>>) dst(%arg6 : memref<128xi32, #tpu.memory_space<vmem>>)
    %dma_start3A_49 = arith.constant 0 : i32
    %dma_start3A_50 = arith.constant 0 : i32
    %dma_start3A_51 = tpu.memref_slice %arg2[%dma_start3A_49, %dma_start3A_50] : memref<10240x128xf32, #tpu.memory_space<hbm>> -> memref<10240x128xf32, #tpu.memory_space<hbm>>
    tpu.enqueue_indirect_dma source(%dma_start3A_51 : memref<10240x128xf32, #tpu.memory_space<hbm>>) target(%arg12 : memref<128x128xf32, #tpu.memory_space<vmem>>) offsets(%arg6 : memref<128xi32, #tpu.memory_space<vmem>>) semaphore(%arg16 : memref<!tpu.dma_semaphore, #tpu.memory_space<semaphore_mem>>)
    %scan3A_52 = arith.constant 0 : i32
    %scan3A_53 = arith.constant 26 : i32
    %scan3A_54 = arith.addi %scan3A_52, %scan3A_53 : i32
    %scan3A_55 = arith.constant 1 : i32
    scf.for %scan3A_96 = %scan3A_52 to %scan3A_54 step %scan3A_55  : i32 {
      %mul3A_97 = arith.constant 3 : i32
      %mul3A_98 = arith.muli %scan3A_96, %mul3A_97 : i32
      %add3A_99 = arith.constant 0 : i32
      %add3A_100 = arith.addi %add3A_99, %mul3A_98 : i32
      %add3A_101 = arith.addi %mul3A_18, %add3A_100 : i32
      %add3A_102 = arith.constant 2 : i32
      %add3A_103 = arith.addi %add3A_101, %add3A_102 : i32
      %dma_start3A_104 = arith.constant 0 : i32
      %dma_start3A_105 = tpu.memref_slice %arg3[%add3A_103, %dma_start3A_104] : memref<2560x128xi32, #tpu.memory_space<hbm>> -> memref<1x128xi32, #tpu.memory_space<hbm>>
      %dma_start3A_106 = tpu.memref_squeeze %dma_start3A_105 : memref<1x128xi32, #tpu.memory_space<hbm>> -> memref<128xi32, #tpu.memory_space<hbm>>
      %dma_start3A_107 = arith.constant 0 : i32
      %dma_start3A_108 = tpu.memref_slice %arg3[%add3A_103, %dma_start3A_107] : memref<2560x128xi32, #tpu.memory_space<hbm>> -> memref<1x128xi32, #tpu.memory_space<hbm>>
      %dma_start3A_109 = tpu.memref_squeeze %dma_start3A_108 : memref<1x128xi32, #tpu.memory_space<hbm>> -> memref<128xi32, #tpu.memory_space<hbm>>
      tpu.enqueue_dma source(%dma_start3A_109 : memref<128xi32, #tpu.memory_space<hbm>>) target(%arg8 : memref<128xi32, #tpu.memory_space<vmem>>) target_semaphore(%arg21 : memref<!tpu.dma_semaphore, #tpu.memory_space<semaphore_mem>>)
      %dma_start3A_110 = arith.constant 0 : i32
      %dma_start3A_111 = tpu.memref_slice %arg4[%add3A_103, %dma_start3A_110] : memref<2560x128xi32, #tpu.memory_space<hbm>> -> memref<1x128xi32, #tpu.memory_space<hbm>>
      %dma_start3A_112 = tpu.memref_squeeze %dma_start3A_111 : memref<1x128xi32, #tpu.memory_space<hbm>> -> memref<128xi32, #tpu.memory_space<hbm>>
      %dma_start3A_113 = arith.constant 0 : i32
      %dma_start3A_114 = tpu.memref_slice %arg4[%add3A_103, %dma_start3A_113] : memref<2560x128xi32, #tpu.memory_space<hbm>> -> memref<1x128xi32, #tpu.memory_space<hbm>>
      %dma_start3A_115 = tpu.memref_squeeze %dma_start3A_114 : memref<1x128xi32, #tpu.memory_space<hbm>> -> memref<128xi32, #tpu.memory_space<hbm>>
      tpu.enqueue_dma source(%dma_start3A_115 : memref<128xi32, #tpu.memory_space<hbm>>) target(%arg11 : memref<128xi32, #tpu.memory_space<vmem>>) target_semaphore(%arg24 : memref<!tpu.dma_semaphore, #tpu.memory_space<semaphore_mem>>)
      %add3A_116 = arith.addi %mul3A_18, %add3A_100 : i32
      %add3A_117 = arith.constant 1 : i32
      %add3A_118 = arith.addi %add3A_116, %add3A_117 : i32
      %dma_wait3A_119 = arith.constant 0 : i32
      %dma_wait3A_120 = tpu.memref_slice %arg3[%add3A_118, %dma_wait3A_119] : memref<2560x128xi32, #tpu.memory_space<hbm>> -> memref<1x128xi32, #tpu.memory_space<hbm>>
      %dma_wait3A_121 = tpu.memref_squeeze %dma_wait3A_120 : memref<1x128xi32, #tpu.memory_space<hbm>> -> memref<128xi32, #tpu.memory_space<hbm>>
      %dma_wait3A_122 = arith.constant 0 : i32
      %dma_wait3A_123 = tpu.memref_slice %arg3[%add3A_118, %dma_wait3A_122] : memref<2560x128xi32, #tpu.memory_space<hbm>> -> memref<1x128xi32, #tpu.memory_space<hbm>>
      %dma_wait3A_124 = tpu.memref_squeeze %dma_wait3A_123 : memref<1x128xi32, #tpu.memory_space<hbm>> -> memref<128xi32, #tpu.memory_space<hbm>>
      tpu.wait_dma2 semaphore(%arg20 : memref<!tpu.dma_semaphore, #tpu.memory_space<semaphore_mem>>) src(%dma_wait3A_124 : memref<128xi32, #tpu.memory_space<hbm>>) dst(%arg7 : memref<128xi32, #tpu.memory_space<vmem>>)
      %dma_start3A_125 = arith.constant 0 : i32
      %dma_start3A_126 = arith.constant 0 : i32
      %dma_start3A_127 = tpu.memref_slice %arg2[%dma_start3A_125, %dma_start3A_126] : memref<10240x128xf32, #tpu.memory_space<hbm>> -> memref<10240x128xf32, #tpu.memory_space<hbm>>
      tpu.enqueue_indirect_dma source(%dma_start3A_127 : memref<10240x128xf32, #tpu.memory_space<hbm>>) target(%arg13 : memref<128x128xf32, #tpu.memory_space<vmem>>) offsets(%arg7 : memref<128xi32, #tpu.memory_space<vmem>>) semaphore(%arg17 : memref<!tpu.dma_semaphore, #tpu.memory_space<semaphore_mem>>)
      %add3A_128 = arith.addi %mul3A_18, %add3A_100 : i32
      %dma_wait3A_129 = arith.constant 0 : i32
      %dma_wait3A_130 = arith.constant 0 : i32
      %dma_wait3A_131 = tpu.memref_slice %arg2[%dma_wait3A_129, %dma_wait3A_130] : memref<10240x128xf32, #tpu.memory_space<hbm>> -> memref<10240x128xf32, #tpu.memory_space<hbm>>
      tpu.wait_indirect_dma semaphore(%arg16 : memref<!tpu.dma_semaphore, #tpu.memory_space<semaphore_mem>>) src(%dma_wait3A_131 : memref<10240x128xf32, #tpu.memory_space<hbm>>) dst(%arg12 : memref<128x128xf32, #tpu.memory_space<vmem>>)
      %dma_wait3A_132 = arith.constant 0 : i32
      %dma_wait3A_133 = tpu.memref_slice %arg4[%add3A_128, %dma_wait3A_132] : memref<2560x128xi32, #tpu.memory_space<hbm>> -> memref<1x128xi32, #tpu.memory_space<hbm>>
      %dma_wait3A_134 = tpu.memref_squeeze %dma_wait3A_133 : memref<1x128xi32, #tpu.memory_space<hbm>> -> memref<128xi32, #tpu.memory_space<hbm>>
      %dma_wait3A_135 = arith.constant 0 : i32
      %dma_wait3A_136 = tpu.memref_slice %arg4[%add3A_128, %dma_wait3A_135] : memref<2560x128xi32, #tpu.memory_space<hbm>> -> memref<1x128xi32, #tpu.memory_space<hbm>>
      %dma_wait3A_137 = tpu.memref_squeeze %dma_wait3A_136 : memref<1x128xi32, #tpu.memory_space<hbm>> -> memref<128xi32, #tpu.memory_space<hbm>>
      tpu.wait_dma2 semaphore(%arg22 : memref<!tpu.dma_semaphore, #tpu.memory_space<semaphore_mem>>) src(%dma_wait3A_137 : memref<128xi32, #tpu.memory_space<hbm>>) dst(%arg9 : memref<128xi32, #tpu.memory_space<vmem>>)
      "tpu.region"() ({
        %run_scoped3A = tpu.sem_alloc : memref<!tpu.dma_semaphore, #tpu.memory_space<semaphore_mem>>
        %dma_start3A_216 = arith.constant 0 : i32
        %dma_start3A_217 = arith.constant 0 : i32
        %dma_start3A_218 = tpu.memref_slice %arg15[%dma_start3A_216, %dma_start3A_217] : memref<10112x128xf32, #tpu.memory_space<vmem_shared>> -> memref<10112x128xf32, #tpu.memory_space<vmem_shared>>
        tpu.enqueue_indirect_dma source(%arg12 : memref<128x128xf32, #tpu.memory_space<vmem>>) target(%dma_start3A_218 : memref<10112x128xf32, #tpu.memory_space<vmem_shared>>) offsets(%arg9 : memref<128xi32, #tpu.memory_space<vmem>>) semaphore(%run_scoped3A : memref<!tpu.dma_semaphore, #tpu.memory_space<semaphore_mem>>) {add = true}
        %dma_wait3A_219 = arith.constant 0 : i32
        %dma_wait3A_220 = arith.constant 0 : i32
        %dma_wait3A_221 = tpu.memref_slice %arg15[%dma_wait3A_219, %dma_wait3A_220] : memref<10112x128xf32, #tpu.memory_space<vmem_shared>> -> memref<10112x128xf32, #tpu.memory_space<vmem_shared>>
        tpu.wait_indirect_dma semaphore(%run_scoped3A : memref<!tpu.dma_semaphore, #tpu.memory_space<semaphore_mem>>) src(%arg12 : memref<128x128xf32, #tpu.memory_space<vmem>>) dst(%dma_wait3A_221 : memref<10112x128xf32, #tpu.memory_space<vmem_shared>>)
        tpu.yield
      }) : () -> ()
      %add3A_138 = arith.addi %mul3A_18, %add3A_100 : i32
      %add3A_139 = arith.constant 3 : i32
      %add3A_140 = arith.addi %add3A_138, %add3A_139 : i32
      %dma_start3A_141 = arith.constant 0 : i32
      %dma_start3A_142 = tpu.memref_slice %arg3[%add3A_140, %dma_start3A_141] : memref<2560x128xi32, #tpu.memory_space<hbm>> -> memref<1x128xi32, #tpu.memory_space<hbm>>
      %dma_start3A_143 = tpu.memref_squeeze %dma_start3A_142 : memref<1x128xi32, #tpu.memory_space<hbm>> -> memref<128xi32, #tpu.memory_space<hbm>>
      %dma_start3A_144 = arith.constant 0 : i32
      %dma_start3A_145 = tpu.memref_slice %arg3[%add3A_140, %dma_start3A_144] : memref<2560x128xi32, #tpu.memory_space<hbm>> -> memref<1x128xi32, #tpu.memory_space<hbm>>
      %dma_start3A_146 = tpu.memref_squeeze %dma_start3A_145 : memref<1x128xi32, #tpu.memory_space<hbm>> -> memref<128xi32, #tpu.memory_space<hbm>>
      tpu.enqueue_dma source(%dma_start3A_146 : memref<128xi32, #tpu.memory_space<hbm>>) target(%arg6 : memref<128xi32, #tpu.memory_space<vmem>>) target_semaphore(%arg19 : memref<!tpu.dma_semaphore, #tpu.memory_space<semaphore_mem>>)
      %dma_start3A_147 = arith.constant 0 : i32
      %dma_start3A_148 = tpu.memref_slice %arg4[%add3A_140, %dma_start3A_147] : memref<2560x128xi32, #tpu.memory_space<hbm>> -> memref<1x128xi32, #tpu.memory_space<hbm>>
      %dma_start3A_149 = tpu.memref_squeeze %dma_start3A_148 : memref<1x128xi32, #tpu.memory_space<hbm>> -> memref<128xi32, #tpu.memory_space<hbm>>
      %dma_start3A_150 = arith.constant 0 : i32
      %dma_start3A_151 = tpu.memref_slice %arg4[%add3A_140, %dma_start3A_150] : memref<2560x128xi32, #tpu.memory_space<hbm>> -> memref<1x128xi32, #tpu.memory_space<hbm>>
      %dma_start3A_152 = tpu.memref_squeeze %dma_start3A_151 : memref<1x128xi32, #tpu.memory_space<hbm>> -> memref<128xi32, #tpu.memory_space<hbm>>
      tpu.enqueue_dma source(%dma_start3A_152 : memref<128xi32, #tpu.memory_space<hbm>>) target(%arg9 : memref<128xi32, #tpu.memory_space<vmem>>) target_semaphore(%arg22 : memref<!tpu.dma_semaphore, #tpu.memory_space<semaphore_mem>>)
      %add3A_153 = arith.addi %mul3A_18, %add3A_100 : i32
      %add3A_154 = arith.constant 2 : i32
      %add3A_155 = arith.addi %add3A_153, %add3A_154 : i32
      %dma_wait3A_156 = arith.constant 0 : i32
      %dma_wait3A_157 = tpu.memref_slice %arg3[%add3A_155, %dma_wait3A_156] : memref<2560x128xi32, #tpu.memory_space<hbm>> -> memref<1x128xi32, #tpu.memory_space<hbm>>
      %dma_wait3A_158 = tpu.memref_squeeze %dma_wait3A_157 : memref<1x128xi32, #tpu.memory_space<hbm>> -> memref<128xi32, #tpu.memory_space<hbm>>
      %dma_wait3A_159 = arith.constant 0 : i32
      %dma_wait3A_160 = tpu.memref_slice %arg3[%add3A_155, %dma_wait3A_159] : memref<2560x128xi32, #tpu.memory_space<hbm>> -> memref<1x128xi32, #tpu.memory_space<hbm>>
      %dma_wait3A_161 = tpu.memref_squeeze %dma_wait3A_160 : memref<1x128xi32, #tpu.memory_space<hbm>> -> memref<128xi32, #tpu.memory_space<hbm>>
      tpu.wait_dma2 semaphore(%arg21 : memref<!tpu.dma_semaphore, #tpu.memory_space<semaphore_mem>>) src(%dma_wait3A_161 : memref<128xi32, #tpu.memory_space<hbm>>) dst(%arg8 : memref<128xi32, #tpu.memory_space<vmem>>)
      %dma_start3A_162 = arith.constant 0 : i32
      %dma_start3A_163 = arith.constant 0 : i32
      %dma_start3A_164 = tpu.memref_slice %arg2[%dma_start3A_162, %dma_start3A_163] : memref<10240x128xf32, #tpu.memory_space<hbm>> -> memref<10240x128xf32, #tpu.memory_space<hbm>>
      tpu.enqueue_indirect_dma source(%dma_start3A_164 : memref<10240x128xf32, #tpu.memory_space<hbm>>) target(%arg14 : memref<128x128xf32, #tpu.memory_space<vmem>>) offsets(%arg8 : memref<128xi32, #tpu.memory_space<vmem>>) semaphore(%arg18 : memref<!tpu.dma_semaphore, #tpu.memory_space<semaphore_mem>>)
      %add3A_165 = arith.addi %mul3A_18, %add3A_100 : i32
      %add3A_166 = arith.constant 1 : i32
      %add3A_167 = arith.addi %add3A_165, %add3A_166 : i32
      %dma_wait3A_168 = arith.constant 0 : i32
      %dma_wait3A_169 = arith.constant 0 : i32
      %dma_wait3A_170 = tpu.memref_slice %arg2[%dma_wait3A_168, %dma_wait3A_169] : memref<10240x128xf32, #tpu.memory_space<hbm>> -> memref<10240x128xf32, #tpu.memory_space<hbm>>
      tpu.wait_indirect_dma semaphore(%arg17 : memref<!tpu.dma_semaphore, #tpu.memory_space<semaphore_mem>>) src(%dma_wait3A_170 : memref<10240x128xf32, #tpu.memory_space<hbm>>) dst(%arg13 : memref<128x128xf32, #tpu.memory_space<vmem>>)
      %dma_wait3A_171 = arith.constant 0 : i32
      %dma_wait3A_172 = tpu.memref_slice %arg4[%add3A_167, %dma_wait3A_171] : memref<2560x128xi32, #tpu.memory_space<hbm>> -> memref<1x128xi32, #tpu.memory_space<hbm>>
      %dma_wait3A_173 = tpu.memref_squeeze %dma_wait3A_172 : memref<1x128xi32, #tpu.memory_space<hbm>> -> memref<128xi32, #tpu.memory_space<hbm>>
      %dma_wait3A_174 = arith.constant 0 : i32
      %dma_wait3A_175 = tpu.memref_slice %arg4[%add3A_167, %dma_wait3A_174] : memref<2560x128xi32, #tpu.memory_space<hbm>> -> memref<1x128xi32, #tpu.memory_space<hbm>>
      %dma_wait3A_176 = tpu.memref_squeeze %dma_wait3A_175 : memref<1x128xi32, #tpu.memory_space<hbm>> -> memref<128xi32, #tpu.memory_space<hbm>>
      tpu.wait_dma2 semaphore(%arg23 : memref<!tpu.dma_semaphore, #tpu.memory_space<semaphore_mem>>) src(%dma_wait3A_176 : memref<128xi32, #tpu.memory_space<hbm>>) dst(%arg10 : memref<128xi32, #tpu.memory_space<vmem>>)
      "tpu.region"() ({
        %run_scoped3A = tpu.sem_alloc : memref<!tpu.dma_semaphore, #tpu.memory_space<semaphore_mem>>
        %dma_start3A_216 = arith.constant 0 : i32
        %dma_start3A_217 = arith.constant 0 : i32
        %dma_start3A_218 = tpu.memref_slice %arg15[%dma_start3A_216, %dma_start3A_217] : memref<10112x128xf32, #tpu.memory_space<vmem_shared>> -> memref<10112x128xf32, #tpu.memory_space<vmem_shared>>
        tpu.enqueue_indirect_dma source(%arg13 : memref<128x128xf32, #tpu.memory_space<vmem>>) target(%dma_start3A_218 : memref<10112x128xf32, #tpu.memory_space<vmem_shared>>) offsets(%arg10 : memref<128xi32, #tpu.memory_space<vmem>>) semaphore(%run_scoped3A : memref<!tpu.dma_semaphore, #tpu.memory_space<semaphore_mem>>) {add = true}
        %dma_wait3A_219 = arith.constant 0 : i32
        %dma_wait3A_220 = arith.constant 0 : i32
        %dma_wait3A_221 = tpu.memref_slice %arg15[%dma_wait3A_219, %dma_wait3A_220] : memref<10112x128xf32, #tpu.memory_space<vmem_shared>> -> memref<10112x128xf32, #tpu.memory_space<vmem_shared>>
        tpu.wait_indirect_dma semaphore(%run_scoped3A : memref<!tpu.dma_semaphore, #tpu.memory_space<semaphore_mem>>) src(%arg13 : memref<128x128xf32, #tpu.memory_space<vmem>>) dst(%dma_wait3A_221 : memref<10112x128xf32, #tpu.memory_space<vmem_shared>>)
        tpu.yield
      }) : () -> ()
      %add3A_177 = arith.addi %mul3A_18, %add3A_100 : i32
      %add3A_178 = arith.constant 4 : i32
      %add3A_179 = arith.addi %add3A_177, %add3A_178 : i32
      %dma_start3A_180 = arith.constant 0 : i32
      %dma_start3A_181 = tpu.memref_slice %arg3[%add3A_179, %dma_start3A_180] : memref<2560x128xi32, #tpu.memory_space<hbm>> -> memref<1x128xi32, #tpu.memory_space<hbm>>
      %dma_start3A_182 = tpu.memref_squeeze %dma_start3A_181 : memref<1x128xi32, #tpu.memory_space<hbm>> -> memref<128xi32, #tpu.memory_space<hbm>>
      %dma_start3A_183 = arith.constant 0 : i32
      %dma_start3A_184 = tpu.memref_slice %arg3[%add3A_179, %dma_start3A_183] : memref<2560x128xi32, #tpu.memory_space<hbm>> -> memref<1x128xi32, #tpu.memory_space<hbm>>
      %dma_start3A_185 = tpu.memref_squeeze %dma_start3A_184 : memref<1x128xi32, #tpu.memory_space<hbm>> -> memref<128xi32, #tpu.memory_space<hbm>>
      tpu.enqueue_dma source(%dma_start3A_185 : memref<128xi32, #tpu.memory_space<hbm>>) target(%arg7 : memref<128xi32, #tpu.memory_space<vmem>>) target_semaphore(%arg20 : memref<!tpu.dma_semaphore, #tpu.memory_space<semaphore_mem>>)
      %dma_start3A_186 = arith.constant 0 : i32
      %dma_start3A_187 = tpu.memref_slice %arg4[%add3A_179, %dma_start3A_186] : memref<2560x128xi32, #tpu.memory_space<hbm>> -> memref<1x128xi32, #tpu.memory_space<hbm>>
      %dma_start3A_188 = tpu.memref_squeeze %dma_start3A_187 : memref<1x128xi32, #tpu.memory_space<hbm>> -> memref<128xi32, #tpu.memory_space<hbm>>
      %dma_start3A_189 = arith.constant 0 : i32
      %dma_start3A_190 = tpu.memref_slice %arg4[%add3A_179, %dma_start3A_189] : memref<2560x128xi32, #tpu.memory_space<hbm>> -> memref<1x128xi32, #tpu.memory_space<hbm>>
      %dma_start3A_191 = tpu.memref_squeeze %dma_start3A_190 : memref<1x128xi32, #tpu.memory_space<hbm>> -> memref<128xi32, #tpu.memory_space<hbm>>
      tpu.enqueue_dma source(%dma_start3A_191 : memref<128xi32, #tpu.memory_space<hbm>>) target(%arg10 : memref<128xi32, #tpu.memory_space<vmem>>) target_semaphore(%arg23 : memref<!tpu.dma_semaphore, #tpu.memory_space<semaphore_mem>>)
      %add3A_192 = arith.addi %mul3A_18, %add3A_100 : i32
      %add3A_193 = arith.constant 3 : i32
      %add3A_194 = arith.addi %add3A_192, %add3A_193 : i32
      %dma_wait3A_195 = arith.constant 0 : i32
      %dma_wait3A_196 = tpu.memref_slice %arg3[%add3A_194, %dma_wait3A_195] : memref<2560x128xi32, #tpu.memory_space<hbm>> -> memref<1x128xi32, #tpu.memory_space<hbm>>
      %dma_wait3A_197 = tpu.memref_squeeze %dma_wait3A_196 : memref<1x128xi32, #tpu.memory_space<hbm>> -> memref<128xi32, #tpu.memory_space<hbm>>
      %dma_wait3A_198 = arith.constant 0 : i32
      %dma_wait3A_199 = tpu.memref_slice %arg3[%add3A_194, %dma_wait3A_198] : memref<2560x128xi32, #tpu.memory_space<hbm>> -> memref<1x128xi32, #tpu.memory_space<hbm>>
      %dma_wait3A_200 = tpu.memref_squeeze %dma_wait3A_199 : memref<1x128xi32, #tpu.memory_space<hbm>> -> memref<128xi32, #tpu.memory_space<hbm>>
      tpu.wait_dma2 semaphore(%arg19 : memref<!tpu.dma_semaphore, #tpu.memory_space<semaphore_mem>>) src(%dma_wait3A_200 : memref<128xi32, #tpu.memory_space<hbm>>) dst(%arg6 : memref<128xi32, #tpu.memory_space<vmem>>)
      %dma_start3A_201 = arith.constant 0 : i32
      %dma_start3A_202 = arith.constant 0 : i32
      %dma_start3A_203 = tpu.memref_slice %arg2[%dma_start3A_201, %dma_start3A_202] : memref<10240x128xf32, #tpu.memory_space<hbm>> -> memref<10240x128xf32, #tpu.memory_space<hbm>>
      tpu.enqueue_indirect_dma source(%dma_start3A_203 : memref<10240x128xf32, #tpu.memory_space<hbm>>) target(%arg12 : memref<128x128xf32, #tpu.memory_space<vmem>>) offsets(%arg6 : memref<128xi32, #tpu.memory_space<vmem>>) semaphore(%arg16 : memref<!tpu.dma_semaphore, #tpu.memory_space<semaphore_mem>>)
      %add3A_204 = arith.addi %mul3A_18, %add3A_100 : i32
      %add3A_205 = arith.constant 2 : i32
      %add3A_206 = arith.addi %add3A_204, %add3A_205 : i32
      %dma_wait3A_207 = arith.constant 0 : i32
      %dma_wait3A_208 = arith.constant 0 : i32
      %dma_wait3A_209 = tpu.memref_slice %arg2[%dma_wait3A_207, %dma_wait3A_208] : memref<10240x128xf32, #tpu.memory_space<hbm>> -> memref<10240x128xf32, #tpu.memory_space<hbm>>
      tpu.wait_indirect_dma semaphore(%arg18 : memref<!tpu.dma_semaphore, #tpu.memory_space<semaphore_mem>>) src(%dma_wait3A_209 : memref<10240x128xf32, #tpu.memory_space<hbm>>) dst(%arg14 : memref<128x128xf32, #tpu.memory_space<vmem>>)
      %dma_wait3A_210 = arith.constant 0 : i32
      %dma_wait3A_211 = tpu.memref_slice %arg4[%add3A_206, %dma_wait3A_210] : memref<2560x128xi32, #tpu.memory_space<hbm>> -> memref<1x128xi32, #tpu.memory_space<hbm>>
      %dma_wait3A_212 = tpu.memref_squeeze %dma_wait3A_211 : memref<1x128xi32, #tpu.memory_space<hbm>> -> memref<128xi32, #tpu.memory_space<hbm>>
      %dma_wait3A_213 = arith.constant 0 : i32
      %dma_wait3A_214 = tpu.memref_slice %arg4[%add3A_206, %dma_wait3A_213] : memref<2560x128xi32, #tpu.memory_space<hbm>> -> memref<1x128xi32, #tpu.memory_space<hbm>>
      %dma_wait3A_215 = tpu.memref_squeeze %dma_wait3A_214 : memref<1x128xi32, #tpu.memory_space<hbm>> -> memref<128xi32, #tpu.memory_space<hbm>>
      tpu.wait_dma2 semaphore(%arg24 : memref<!tpu.dma_semaphore, #tpu.memory_space<semaphore_mem>>) src(%dma_wait3A_215 : memref<128xi32, #tpu.memory_space<hbm>>) dst(%arg11 : memref<128xi32, #tpu.memory_space<vmem>>)
      "tpu.region"() ({
        %run_scoped3A = tpu.sem_alloc : memref<!tpu.dma_semaphore, #tpu.memory_space<semaphore_mem>>
        %dma_start3A_216 = arith.constant 0 : i32
        %dma_start3A_217 = arith.constant 0 : i32
        %dma_start3A_218 = tpu.memref_slice %arg15[%dma_start3A_216, %dma_start3A_217] : memref<10112x128xf32, #tpu.memory_space<vmem_shared>> -> memref<10112x128xf32, #tpu.memory_space<vmem_shared>>
        tpu.enqueue_indirect_dma source(%arg14 : memref<128x128xf32, #tpu.memory_space<vmem>>) target(%dma_start3A_218 : memref<10112x128xf32, #tpu.memory_space<vmem_shared>>) offsets(%arg11 : memref<128xi32, #tpu.memory_space<vmem>>) semaphore(%run_scoped3A : memref<!tpu.dma_semaphore, #tpu.memory_space<semaphore_mem>>) {add = true}
        %dma_wait3A_219 = arith.constant 0 : i32
        %dma_wait3A_220 = arith.constant 0 : i32
        %dma_wait3A_221 = tpu.memref_slice %arg15[%dma_wait3A_219, %dma_wait3A_220] : memref<10112x128xf32, #tpu.memory_space<vmem_shared>> -> memref<10112x128xf32, #tpu.memory_space<vmem_shared>>
        tpu.wait_indirect_dma semaphore(%run_scoped3A : memref<!tpu.dma_semaphore, #tpu.memory_space<semaphore_mem>>) src(%arg14 : memref<128x128xf32, #tpu.memory_space<vmem>>) dst(%dma_wait3A_221 : memref<10112x128xf32, #tpu.memory_space<vmem_shared>>)
        tpu.yield
      }) : () -> ()
    }
    %scan3A_56 = arith.constant 26 : i32
    %add3A_57 = arith.constant 80 : i32
    %add3A_58 = arith.addi %mul3A_18, %add3A_57 : i32
    %sub3A = arith.constant 1 : i32
    %sub3A_59 = arith.subi %add3A_58, %sub3A : i32
    %dma_wait3A_60 = arith.constant 0 : i32
    %dma_wait3A_61 = tpu.memref_slice %arg3[%sub3A_59, %dma_wait3A_60] : memref<2560x128xi32, #tpu.memory_space<hbm>> -> memref<1x128xi32, #tpu.memory_space<hbm>>
    %dma_wait3A_62 = tpu.memref_squeeze %dma_wait3A_61 : memref<1x128xi32, #tpu.memory_space<hbm>> -> memref<128xi32, #tpu.memory_space<hbm>>
    %dma_wait3A_63 = arith.constant 0 : i32
    %dma_wait3A_64 = tpu.memref_slice %arg3[%sub3A_59, %dma_wait3A_63] : memref<2560x128xi32, #tpu.memory_space<hbm>> -> memref<1x128xi32, #tpu.memory_space<hbm>>
    %dma_wait3A_65 = tpu.memref_squeeze %dma_wait3A_64 : memref<1x128xi32, #tpu.memory_space<hbm>> -> memref<128xi32, #tpu.memory_space<hbm>>
    tpu.wait_dma2 semaphore(%arg20 : memref<!tpu.dma_semaphore, #tpu.memory_space<semaphore_mem>>) src(%dma_wait3A_65 : memref<128xi32, #tpu.memory_space<hbm>>) dst(%arg7 : memref<128xi32, #tpu.memory_space<vmem>>)
    %dma_start3A_66 = arith.constant 0 : i32
    %dma_start3A_67 = arith.constant 0 : i32
    %dma_start3A_68 = tpu.memref_slice %arg2[%dma_start3A_66, %dma_start3A_67] : memref<10240x128xf32, #tpu.memory_space<hbm>> -> memref<10240x128xf32, #tpu.memory_space<hbm>>
    tpu.enqueue_indirect_dma source(%dma_start3A_68 : memref<10240x128xf32, #tpu.memory_space<hbm>>) target(%arg13 : memref<128x128xf32, #tpu.memory_space<vmem>>) offsets(%arg7 : memref<128xi32, #tpu.memory_space<vmem>>) semaphore(%arg17 : memref<!tpu.dma_semaphore, #tpu.memory_space<semaphore_mem>>)
    %add3A_69 = arith.constant 80 : i32
    %add3A_70 = arith.addi %mul3A_18, %add3A_69 : i32
    %sub3A_71 = arith.constant 2 : i32
    %sub3A_72 = arith.subi %add3A_70, %sub3A_71 : i32
    %dma_wait3A_73 = arith.constant 0 : i32
    %dma_wait3A_74 = arith.constant 0 : i32
    %dma_wait3A_75 = tpu.memref_slice %arg2[%dma_wait3A_73, %dma_wait3A_74] : memref<10240x128xf32, #tpu.memory_space<hbm>> -> memref<10240x128xf32, #tpu.memory_space<hbm>>
    tpu.wait_indirect_dma semaphore(%arg16 : memref<!tpu.dma_semaphore, #tpu.memory_space<semaphore_mem>>) src(%dma_wait3A_75 : memref<10240x128xf32, #tpu.memory_space<hbm>>) dst(%arg12 : memref<128x128xf32, #tpu.memory_space<vmem>>)
    %dma_wait3A_76 = arith.constant 0 : i32
    %dma_wait3A_77 = tpu.memref_slice %arg4[%sub3A_72, %dma_wait3A_76] : memref<2560x128xi32, #tpu.memory_space<hbm>> -> memref<1x128xi32, #tpu.memory_space<hbm>>
    %dma_wait3A_78 = tpu.memref_squeeze %dma_wait3A_77 : memref<1x128xi32, #tpu.memory_space<hbm>> -> memref<128xi32, #tpu.memory_space<hbm>>
    %dma_wait3A_79 = arith.constant 0 : i32
    %dma_wait3A_80 = tpu.memref_slice %arg4[%sub3A_72, %dma_wait3A_79] : memref<2560x128xi32, #tpu.memory_space<hbm>> -> memref<1x128xi32, #tpu.memory_space<hbm>>
    %dma_wait3A_81 = tpu.memref_squeeze %dma_wait3A_80 : memref<1x128xi32, #tpu.memory_space<hbm>> -> memref<128xi32, #tpu.memory_space<hbm>>
    tpu.wait_dma2 semaphore(%arg22 : memref<!tpu.dma_semaphore, #tpu.memory_space<semaphore_mem>>) src(%dma_wait3A_81 : memref<128xi32, #tpu.memory_space<hbm>>) dst(%arg9 : memref<128xi32, #tpu.memory_space<vmem>>)
    "tpu.region"() ({
      %run_scoped3A = tpu.sem_alloc : memref<!tpu.dma_semaphore, #tpu.memory_space<semaphore_mem>>
      %dma_start3A_96 = arith.constant 0 : i32
      %dma_start3A_97 = arith.constant 0 : i32
      %dma_start3A_98 = tpu.memref_slice %arg15[%dma_start3A_96, %dma_start3A_97] : memref<10112x128xf32, #tpu.memory_space<vmem_shared>> -> memref<10112x128xf32, #tpu.memory_space<vmem_shared>>
      tpu.enqueue_indirect_dma source(%arg12 : memref<128x128xf32, #tpu.memory_space<vmem>>) target(%dma_start3A_98 : memref<10112x128xf32, #tpu.memory_space<vmem_shared>>) offsets(%arg9 : memref<128xi32, #tpu.memory_space<vmem>>) semaphore(%run_scoped3A : memref<!tpu.dma_semaphore, #tpu.memory_space<semaphore_mem>>) {add = true}
      %dma_wait3A_99 = arith.constant 0 : i32
      %dma_wait3A_100 = arith.constant 0 : i32
      %dma_wait3A_101 = tpu.memref_slice %arg15[%dma_wait3A_99, %dma_wait3A_100] : memref<10112x128xf32, #tpu.memory_space<vmem_shared>> -> memref<10112x128xf32, #tpu.memory_space<vmem_shared>>
      tpu.wait_indirect_dma semaphore(%run_scoped3A : memref<!tpu.dma_semaphore, #tpu.memory_space<semaphore_mem>>) src(%arg12 : memref<128x128xf32, #tpu.memory_space<vmem>>) dst(%dma_wait3A_101 : memref<10112x128xf32, #tpu.memory_space<vmem_shared>>)
      tpu.yield
    }) : () -> ()
    %add3A_82 = arith.constant 80 : i32
    %add3A_83 = arith.addi %mul3A_18, %add3A_82 : i32
    %sub3A_84 = arith.constant 1 : i32
    %sub3A_85 = arith.subi %add3A_83, %sub3A_84 : i32
    %dma_wait3A_86 = arith.constant 0 : i32
    %dma_wait3A_87 = arith.constant 0 : i32
    %dma_wait3A_88 = tpu.memref_slice %arg2[%dma_wait3A_86, %dma_wait3A_87] : memref<10240x128xf32, #tpu.memory_space<hbm>> -> memref<10240x128xf32, #tpu.memory_space<hbm>>
    tpu.wait_indirect_dma semaphore(%arg17 : memref<!tpu.dma_semaphore, #tpu.memory_space<semaphore_mem>>) src(%dma_wait3A_88 : memref<10240x128xf32, #tpu.memory_space<hbm>>) dst(%arg13 : memref<128x128xf32, #tpu.memory_space<vmem>>)
    %dma_wait3A_89 = arith.constant 0 : i32
    %dma_wait3A_90 = tpu.memref_slice %arg4[%sub3A_85, %dma_wait3A_89] : memref<2560x128xi32, #tpu.memory_space<hbm>> -> memref<1x128xi32, #tpu.memory_space<hbm>>
    %dma_wait3A_91 = tpu.memref_squeeze %dma_wait3A_90 : memref<1x128xi32, #tpu.memory_space<hbm>> -> memref<128xi32, #tpu.memory_space<hbm>>
    %dma_wait3A_92 = arith.constant 0 : i32
    %dma_wait3A_93 = tpu.memref_slice %arg4[%sub3A_85, %dma_wait3A_92] : memref<2560x128xi32, #tpu.memory_space<hbm>> -> memref<1x128xi32, #tpu.memory_space<hbm>>
    %dma_wait3A_94 = tpu.memref_squeeze %dma_wait3A_93 : memref<1x128xi32, #tpu.memory_space<hbm>> -> memref<128xi32, #tpu.memory_space<hbm>>
    tpu.wait_dma2 semaphore(%arg23 : memref<!tpu.dma_semaphore, #tpu.memory_space<semaphore_mem>>) src(%dma_wait3A_94 : memref<128xi32, #tpu.memory_space<hbm>>) dst(%arg10 : memref<128xi32, #tpu.memory_space<vmem>>)
    "tpu.region"() ({
      %run_scoped3A = tpu.sem_alloc : memref<!tpu.dma_semaphore, #tpu.memory_space<semaphore_mem>>
      %dma_start3A_96 = arith.constant 0 : i32
      %dma_start3A_97 = arith.constant 0 : i32
      %dma_start3A_98 = tpu.memref_slice %arg15[%dma_start3A_96, %dma_start3A_97] : memref<10112x128xf32, #tpu.memory_space<vmem_shared>> -> memref<10112x128xf32, #tpu.memory_space<vmem_shared>>
      tpu.enqueue_indirect_dma source(%arg13 : memref<128x128xf32, #tpu.memory_space<vmem>>) target(%dma_start3A_98 : memref<10112x128xf32, #tpu.memory_space<vmem_shared>>) offsets(%arg10 : memref<128xi32, #tpu.memory_space<vmem>>) semaphore(%run_scoped3A : memref<!tpu.dma_semaphore, #tpu.memory_space<semaphore_mem>>) {add = true}
      %dma_wait3A_99 = arith.constant 0 : i32
      %dma_wait3A_100 = arith.constant 0 : i32
      %dma_wait3A_101 = tpu.memref_slice %arg15[%dma_wait3A_99, %dma_wait3A_100] : memref<10112x128xf32, #tpu.memory_space<vmem_shared>> -> memref<10112x128xf32, #tpu.memory_space<vmem_shared>>
      tpu.wait_indirect_dma semaphore(%run_scoped3A : memref<!tpu.dma_semaphore, #tpu.memory_space<semaphore_mem>>) src(%arg13 : memref<128x128xf32, #tpu.memory_space<vmem>>) dst(%dma_wait3A_101 : memref<10112x128xf32, #tpu.memory_space<vmem_shared>>)
      tpu.yield
    }) : () -> ()
    %barrier3A_95 = arith.constant 0 : index
    tpu.barrier barrier_id(%barrier3A_95)
    "tpu.region"() ({
      %run_scoped3A = tpu.sem_alloc : memref<!tpu.dma_semaphore, #tpu.memory_space<semaphore_mem>>
      %dma_start3A_96 = arith.constant 0 : i32
      %dma_start3A_97 = tpu.memref_slice %arg5[%arg0, %mul3A_6, %dma_start3A_96] : memref<2x10240x128xf32, #tpu.memory_space<hbm>> -> memref<1x632x128xf32, #tpu.memory_space<hbm>>
      %dma_start3A_98 = tpu.memref_squeeze %dma_start3A_97 : memref<1x632x128xf32, #tpu.memory_space<hbm>> -> memref<632x128xf32, #tpu.memory_space<hbm>>
      %dma_start3A_99 = arith.constant 0 : i32
      %dma_start3A_100 = tpu.memref_slice %arg15[%mul3A_6, %dma_start3A_99] : memref<10112x128xf32, #tpu.memory_space<vmem_shared>> -> memref<632x128xf32, #tpu.memory_space<vmem_shared>>
      tpu.enqueue_dma source(%dma_start3A_100 : memref<632x128xf32, #tpu.memory_space<vmem_shared>>) target(%dma_start3A_98 : memref<632x128xf32, #tpu.memory_space<hbm>>) target_semaphore(%run_scoped3A : memref<!tpu.dma_semaphore, #tpu.memory_space<semaphore_mem>>)
      %dma_wait3A_101 = arith.constant 0 : i32
      %dma_wait3A_102 = tpu.memref_slice %arg5[%arg0, %mul3A_6, %dma_wait3A_101] : memref<2x10240x128xf32, #tpu.memory_space<hbm>> -> memref<1x632x128xf32, #tpu.memory_space<hbm>>
      %dma_wait3A_103 = tpu.memref_squeeze %dma_wait3A_102 : memref<1x632x128xf32, #tpu.memory_space<hbm>> -> memref<632x128xf32, #tpu.memory_space<hbm>>
      %dma_wait3A_104 = arith.constant 0 : i32
      %dma_wait3A_105 = tpu.memref_slice %arg15[%mul3A_6, %dma_wait3A_104] : memref<10112x128xf32, #tpu.memory_space<vmem_shared>> -> memref<632x128xf32, #tpu.memory_space<vmem_shared>>
      tpu.wait_dma2 semaphore(%run_scoped3A : memref<!tpu.dma_semaphore, #tpu.memory_space<semaphore_mem>>) src(%dma_wait3A_105 : memref<632x128xf32, #tpu.memory_space<vmem_shared>>) dst(%dma_wait3A_103 : memref<632x128xf32, #tpu.memory_space<hbm>>)
      tpu.yield
    }) : () -> ()
    return
  }
}

module attributes {stable_mosaic.version = 14 : i64} {
  func.func @_tc1_body(%arg0: i32, %arg1: memref<2048x256xf32, #tpu.memory_space<vmem>>, %arg2: memref<256x128xf32, #tpu.memory_space<vmem>>, %arg3: memref<1x128xf32, #tpu.memory_space<vmem>>, %arg4: memref<128x128xf32, #tpu.memory_space<vmem>>, %arg5: memref<1x128xf32, #tpu.memory_space<vmem>>, %arg6: memref<2048x128xf32, #tpu.memory_space<vmem>>) attributes {dimension_semantics = [#tpu.dimension_semantics<arbitrary>], iteration_bounds = array<i64: 5>, scalar_prefetch = 0 : i64, scratch_operands = 0 : i64, tpu.core_type = #tpu.core_type<tc>, window_params = [{transform_indices = @transform_0, window_bounds = array<i64: 2048, 256>}, {pipeline_mode = #tpu.pipeline_mode<synchronous>, transform_indices = @transform_1, window_bounds = array<i64: 256, 128>}, {pipeline_mode = #tpu.pipeline_mode<synchronous>, transform_indices = @transform_2, window_bounds = array<i64: 1, 128>}, {pipeline_mode = #tpu.pipeline_mode<synchronous>, transform_indices = @transform_3, window_bounds = array<i64: 128, 128>}, {pipeline_mode = #tpu.pipeline_mode<synchronous>, transform_indices = @transform_4, window_bounds = array<i64: 1, 128>}, {transform_indices = @transform_5, window_bounds = array<i64: 2048, 128>}]} {
    %get3A = arith.constant 0 : index
    %get3A_0 = arith.constant 0 : index
    %get3A_1 = vector.load %arg1[%get3A, %get3A_0] : memref<2048x256xf32, #tpu.memory_space<vmem>>, vector<2048x256xf32>
    %get3A_2 = arith.constant 0 : index
    %get3A_3 = arith.constant 0 : index
    %get3A_4 = vector.load %arg2[%get3A_2, %get3A_3] : memref<256x128xf32, #tpu.memory_space<vmem>>, vector<256x128xf32>
    %dot_general3A = arith.constant dense<0.000000e+00> : vector<2048x128xf32>
    %dot_general3A_5 = tpu.matmul %get3A_1, %get3A_4, %dot_general3A {dimension_numbers = #tpu.dot_dimension_numbers<[1], [0], [0], [1], [0, 0, 1, 1], [], []>, transpose_lhs_hint = false} : vector<2048x256xf32>, vector<256x128xf32>, vector<2048x128xf32> -> vector<2048x128xf32>
    %get3A_6 = arith.constant 0 : index
    %get3A_7 = arith.constant 0 : index
    %get3A_8 = vector.load %arg3[%get3A_6, %get3A_7] : memref<1x128xf32, #tpu.memory_space<vmem>>, vector<1x128xf32>
    %add3A = vector.broadcast %get3A_8 : vector<1x128xf32> to vector<2048x128xf32>
    %add3A_9 = arith.addf %dot_general3A_5, %add3A : vector<2048x128xf32>
    %max3A = arith.constant 0.000000e+00 : f32
    %max3A_10 = vector.broadcast %max3A : f32 to vector<2048x128xf32>
    %max3A_11 = arith.maximumf %add3A_9, %max3A_10 : vector<2048x128xf32>
    %get3A_12 = arith.constant 0 : index
    %get3A_13 = arith.constant 0 : index
    %get3A_14 = vector.load %arg4[%get3A_12, %get3A_13] : memref<128x128xf32, #tpu.memory_space<vmem>>, vector<128x128xf32>
    %dot_general3A_15 = arith.constant dense<0.000000e+00> : vector<2048x128xf32>
    %dot_general3A_16 = tpu.matmul %max3A_11, %get3A_14, %dot_general3A_15 {dimension_numbers = #tpu.dot_dimension_numbers<[1], [0], [0], [1], [0, 0, 1, 1], [], []>, transpose_lhs_hint = false} : vector<2048x128xf32>, vector<128x128xf32>, vector<2048x128xf32> -> vector<2048x128xf32>
    %get3A_17 = arith.constant 0 : index
    %get3A_18 = arith.constant 0 : index
    %get3A_19 = vector.load %arg5[%get3A_17, %get3A_18] : memref<1x128xf32, #tpu.memory_space<vmem>>, vector<1x128xf32>
    %add3A_20 = vector.broadcast %get3A_19 : vector<1x128xf32> to vector<2048x128xf32>
    %add3A_21 = arith.addf %dot_general3A_16, %add3A_20 : vector<2048x128xf32>
    %swap3A = arith.constant 0 : index
    %swap3A_22 = arith.constant 0 : index
    %swap3A_23 = vector.load %arg6[%swap3A, %swap3A_22] : memref<2048x128xf32, #tpu.memory_space<vmem>>, vector<2048x128xf32>
    tpu.vector_store %arg6[%swap3A, %swap3A_22], %add3A_21 {strides = array<i32>} : memref<2048x128xf32, #tpu.memory_space<vmem>>, vector<2048x128xf32>,
    return
  }
  func.func @transform_0(%arg0: i32) -> (i32, i32) {
    %c0_i32 = arith.constant 0 : i32
    %c0_i32_0 = arith.constant 0 : i32
    return %arg0, %c0_i32 : i32, i32
  }
  func.func @transform_1(%arg0: i32) -> (i32, i32) {
    %c0_i32 = arith.constant 0 : i32
    %c0_i32_0 = arith.constant 0 : i32
    %c0_i32_1 = arith.constant 0 : i32
    return %c0_i32, %c0_i32_0 : i32, i32
  }
  func.func @transform_2(%arg0: i32) -> (i32, i32) {
    %c0_i32 = arith.constant 0 : i32
    %c0_i32_0 = arith.constant 0 : i32
    %c0_i32_1 = arith.constant 0 : i32
    return %c0_i32, %c0_i32_0 : i32, i32
  }
  func.func @transform_3(%arg0: i32) -> (i32, i32) {
    %c0_i32 = arith.constant 0 : i32
    %c0_i32_0 = arith.constant 0 : i32
    %c0_i32_1 = arith.constant 0 : i32
    return %c0_i32, %c0_i32_0 : i32, i32
  }
  func.func @transform_4(%arg0: i32) -> (i32, i32) {
    %c0_i32 = arith.constant 0 : i32
    %c0_i32_0 = arith.constant 0 : i32
    %c0_i32_1 = arith.constant 0 : i32
    return %c0_i32, %c0_i32_0 : i32, i32
  }
  func.func @transform_5(%arg0: i32) -> (i32, i32) {
    %c0_i32 = arith.constant 0 : i32
    %c0_i32_0 = arith.constant 0 : i32
    return %arg0, %c0_i32 : i32, i32
  }
}

module attributes {stable_mosaic.version = 14 : i64} {
  func.func @_tc2_body(%arg0: i32, %arg1: memref<2048x256xf32, #tpu.memory_space<vmem>>, %arg2: memref<1x2048x128xf32, #tpu.memory_space<vmem>>, %arg3: memref<1x2048x128xf32, #tpu.memory_space<vmem>>, %arg4: memref<256x128xf32, #tpu.memory_space<vmem>>, %arg5: memref<128x128xf32, #tpu.memory_space<vmem>>, %arg6: memref<1x128xf32, #tpu.memory_space<vmem>>, %arg7: memref<128x128xf32, #tpu.memory_space<vmem>>, %arg8: memref<1x128xf32, #tpu.memory_space<vmem>>, %arg9: memref<128x128xf32, #tpu.memory_space<vmem>>, %arg10: memref<1x128xf32, #tpu.memory_space<vmem>>, %arg11: memref<2048x128xf32, #tpu.memory_space<vmem>>, %arg12: memref<2048x128xf32, #tpu.memory_space<vmem>>) attributes {dimension_semantics = [#tpu.dimension_semantics<arbitrary>], iteration_bounds = array<i64: 5>, scalar_prefetch = 0 : i64, scratch_operands = 0 : i64, tpu.core_type = #tpu.core_type<tc>, window_params = [{transform_indices = @transform_0, window_bounds = array<i64: 2048, 256>}, {transform_indices = @transform_1, window_bounds = array<i64: 1, 2048, 128>}, {transform_indices = @transform_2, window_bounds = array<i64: 1, 2048, 128>}, {pipeline_mode = #tpu.pipeline_mode<synchronous>, transform_indices = @transform_3, window_bounds = array<i64: 256, 128>}, {pipeline_mode = #tpu.pipeline_mode<synchronous>, transform_indices = @transform_4, window_bounds = array<i64: 128, 128>}, {pipeline_mode = #tpu.pipeline_mode<synchronous>, transform_indices = @transform_5, window_bounds = array<i64: 1, 128>}, {pipeline_mode = #tpu.pipeline_mode<synchronous>, transform_indices = @transform_6, window_bounds = array<i64: 128, 128>}, {pipeline_mode = #tpu.pipeline_mode<synchronous>, transform_indices = @transform_7, window_bounds = array<i64: 1, 128>}, {pipeline_mode = #tpu.pipeline_mode<synchronous>, transform_indices = @transform_8, window_bounds = array<i64: 128, 128>}, {pipeline_mode = #tpu.pipeline_mode<synchronous>, transform_indices = @transform_9, window_bounds = array<i64: 1, 128>}, {transform_indices = @transform_10, window_bounds = array<i64: 2048, 128>}, {transform_indices = @transform_11, window_bounds = array<i64: 2048, 128>}]} {
    %get3A = arith.constant 0 : index
    %get3A_0 = arith.constant 0 : index
    %get3A_1 = arith.constant 0 : index
    %get3A_2 = vector.load %arg2[%get3A, %get3A_0, %get3A_1] : memref<1x2048x128xf32, #tpu.memory_space<vmem>>, vector<1x2048x128xf32>
    %get3A_3 = vector.shape_cast %get3A_2 : vector<1x2048x128xf32> to vector<2048x128xf32>
    %get3A_4 = arith.constant 0 : index
    %get3A_5 = arith.constant 0 : index
    %get3A_6 = arith.constant 0 : index
    %get3A_7 = vector.load %arg3[%get3A_4, %get3A_5, %get3A_6] : memref<1x2048x128xf32, #tpu.memory_space<vmem>>, vector<1x2048x128xf32>
    %get3A_8 = vector.shape_cast %get3A_7 : vector<1x2048x128xf32> to vector<2048x128xf32>
    %add3A = arith.addf %get3A_3, %get3A_8 : vector<2048x128xf32>
    %get3A_9 = arith.constant 0 : index
    %get3A_10 = arith.constant 0 : index
    %get3A_11 = vector.load %arg1[%get3A_9, %get3A_10] : memref<2048x256xf32, #tpu.memory_space<vmem>>, vector<2048x256xf32>
    %get3A_12 = arith.constant 0 : index
    %get3A_13 = arith.constant 0 : index
    %get3A_14 = vector.load %arg4[%get3A_12, %get3A_13] : memref<256x128xf32, #tpu.memory_space<vmem>>, vector<256x128xf32>
    %dot_general3A = arith.constant dense<0.000000e+00> : vector<2048x128xf32>
    %dot_general3A_15 = tpu.matmul %get3A_11, %get3A_14, %dot_general3A {dimension_numbers = #tpu.dot_dimension_numbers<[1], [0], [0], [1], [0, 0, 1, 1], [], []>, transpose_lhs_hint = false} : vector<2048x256xf32>, vector<256x128xf32>, vector<2048x128xf32> -> vector<2048x128xf32>
    %get3A_16 = arith.constant 0 : index
    %get3A_17 = arith.constant 0 : index
    %get3A_18 = vector.load %arg5[%get3A_16, %get3A_17] : memref<128x128xf32, #tpu.memory_space<vmem>>, vector<128x128xf32>
    %dot_general3A_19 = arith.constant dense<0.000000e+00> : vector<2048x128xf32>
    %dot_general3A_20 = tpu.matmul %add3A, %get3A_18, %dot_general3A_19 {dimension_numbers = #tpu.dot_dimension_numbers<[1], [0], [0], [1], [0, 0, 1, 1], [], []>, transpose_lhs_hint = false} : vector<2048x128xf32>, vector<128x128xf32>, vector<2048x128xf32> -> vector<2048x128xf32>
    %add3A_21 = arith.addf %dot_general3A_15, %dot_general3A_20 : vector<2048x128xf32>
    %get3A_22 = arith.constant 0 : index
    %get3A_23 = arith.constant 0 : index
    %get3A_24 = vector.load %arg6[%get3A_22, %get3A_23] : memref<1x128xf32, #tpu.memory_space<vmem>>, vector<1x128xf32>
    %add3A_25 = vector.broadcast %get3A_24 : vector<1x128xf32> to vector<2048x128xf32>
    %add3A_26 = arith.addf %add3A_21, %add3A_25 : vector<2048x128xf32>
    %max3A = arith.constant 0.000000e+00 : f32
    %max3A_27 = vector.broadcast %max3A : f32 to vector<2048x128xf32>
    %max3A_28 = arith.maximumf %add3A_26, %max3A_27 : vector<2048x128xf32>
    %swap3A = arith.constant 0 : index
    %swap3A_29 = arith.constant 0 : index
    %swap3A_30 = vector.load %arg11[%swap3A, %swap3A_29] : memref<2048x128xf32, #tpu.memory_space<vmem>>, vector<2048x128xf32>
    tpu.vector_store %arg11[%swap3A, %swap3A_29], %max3A_28 {strides = array<i32>} : memref<2048x128xf32, #tpu.memory_space<vmem>>, vector<2048x128xf32>,
    %get3A_31 = arith.constant 0 : index
    %get3A_32 = arith.constant 0 : index
    %get3A_33 = vector.load %arg7[%get3A_31, %get3A_32] : memref<128x128xf32, #tpu.memory_space<vmem>>, vector<128x128xf32>
    %dot_general3A_34 = arith.constant dense<0.000000e+00> : vector<2048x128xf32>
    %dot_general3A_35 = tpu.matmul %max3A_28, %get3A_33, %dot_general3A_34 {dimension_numbers = #tpu.dot_dimension_numbers<[1], [0], [0], [1], [0, 0, 1, 1], [], []>, transpose_lhs_hint = false} : vector<2048x128xf32>, vector<128x128xf32>, vector<2048x128xf32> -> vector<2048x128xf32>
    %get3A_36 = arith.constant 0 : index
    %get3A_37 = arith.constant 0 : index
    %get3A_38 = vector.load %arg8[%get3A_36, %get3A_37] : memref<1x128xf32, #tpu.memory_space<vmem>>, vector<1x128xf32>
    %add3A_39 = vector.broadcast %get3A_38 : vector<1x128xf32> to vector<2048x128xf32>
    %add3A_40 = arith.addf %dot_general3A_35, %add3A_39 : vector<2048x128xf32>
    %max3A_41 = arith.constant 0.000000e+00 : f32
    %max3A_42 = vector.broadcast %max3A_41 : f32 to vector<2048x128xf32>
    %max3A_43 = arith.maximumf %add3A_40, %max3A_42 : vector<2048x128xf32>
    %get3A_44 = arith.constant 0 : index
    %get3A_45 = arith.constant 0 : index
    %get3A_46 = vector.load %arg9[%get3A_44, %get3A_45] : memref<128x128xf32, #tpu.memory_space<vmem>>, vector<128x128xf32>
    %dot_general3A_47 = arith.constant dense<0.000000e+00> : vector<2048x128xf32>
    %dot_general3A_48 = tpu.matmul %max3A_43, %get3A_46, %dot_general3A_47 {dimension_numbers = #tpu.dot_dimension_numbers<[1], [0], [0], [1], [0, 0, 1, 1], [], []>, transpose_lhs_hint = false} : vector<2048x128xf32>, vector<128x128xf32>, vector<2048x128xf32> -> vector<2048x128xf32>
    %get3A_49 = arith.constant 0 : index
    %get3A_50 = arith.constant 0 : index
    %get3A_51 = vector.load %arg10[%get3A_49, %get3A_50] : memref<1x128xf32, #tpu.memory_space<vmem>>, vector<1x128xf32>
    %add3A_52 = vector.broadcast %get3A_51 : vector<1x128xf32> to vector<2048x128xf32>
    %add3A_53 = arith.addf %dot_general3A_48, %add3A_52 : vector<2048x128xf32>
    %swap3A_54 = arith.constant 0 : index
    %swap3A_55 = arith.constant 0 : index
    %swap3A_56 = vector.load %arg12[%swap3A_54, %swap3A_55] : memref<2048x128xf32, #tpu.memory_space<vmem>>, vector<2048x128xf32>
    tpu.vector_store %arg12[%swap3A_54, %swap3A_55], %add3A_53 {strides = array<i32>} : memref<2048x128xf32, #tpu.memory_space<vmem>>, vector<2048x128xf32>,
    return
  }
  func.func @transform_0(%arg0: i32) -> (i32, i32) {
    %c0_i32 = arith.constant 0 : i32
    %c0_i32_0 = arith.constant 0 : i32
    return %arg0, %c0_i32 : i32, i32
  }
  func.func @transform_1(%arg0: i32) -> (i32, i32, i32) {
    %c0_i32 = arith.constant 0 : i32
    %c0_i32_0 = arith.constant 0 : i32
    %c0_i32_1 = arith.constant 0 : i32
    return %c0_i32, %arg0, %c0_i32_0 : i32, i32, i32
  }
  func.func @transform_2(%arg0: i32) -> (i32, i32, i32) {
    %c1_i32 = arith.constant 1 : i32
    %c0_i32 = arith.constant 0 : i32
    %c0_i32_0 = arith.constant 0 : i32
    return %c1_i32, %arg0, %c0_i32 : i32, i32, i32
  }
  func.func @transform_3(%arg0: i32) -> (i32, i32) {
    %c0_i32 = arith.constant 0 : i32
    %c0_i32_0 = arith.constant 0 : i32
    %c0_i32_1 = arith.constant 0 : i32
    return %c0_i32, %c0_i32_0 : i32, i32
  }
  func.func @transform_4(%arg0: i32) -> (i32, i32) {
    %c0_i32 = arith.constant 0 : i32
    %c0_i32_0 = arith.constant 0 : i32
    %c0_i32_1 = arith.constant 0 : i32
    return %c0_i32, %c0_i32_0 : i32, i32
  }
  func.func @transform_5(%arg0: i32) -> (i32, i32) {
    %c0_i32 = arith.constant 0 : i32
    %c0_i32_0 = arith.constant 0 : i32
    %c0_i32_1 = arith.constant 0 : i32
    return %c0_i32, %c0_i32_0 : i32, i32
  }
  func.func @transform_6(%arg0: i32) -> (i32, i32) {
    %c0_i32 = arith.constant 0 : i32
    %c0_i32_0 = arith.constant 0 : i32
    %c0_i32_1 = arith.constant 0 : i32
    return %c0_i32, %c0_i32_0 : i32, i32
  }
  func.func @transform_7(%arg0: i32) -> (i32, i32) {
    %c0_i32 = arith.constant 0 : i32
    %c0_i32_0 = arith.constant 0 : i32
    %c0_i32_1 = arith.constant 0 : i32
    return %c0_i32, %c0_i32_0 : i32, i32
  }
  func.func @transform_8(%arg0: i32) -> (i32, i32) {
    %c0_i32 = arith.constant 0 : i32
    %c0_i32_0 = arith.constant 0 : i32
    %c0_i32_1 = arith.constant 0 : i32
    return %c0_i32, %c0_i32_0 : i32, i32
  }
  func.func @transform_9(%arg0: i32) -> (i32, i32) {
    %c0_i32 = arith.constant 0 : i32
    %c0_i32_0 = arith.constant 0 : i32
    %c0_i32_1 = arith.constant 0 : i32
    return %c0_i32, %c0_i32_0 : i32, i32
  }
  func.func @transform_10(%arg0: i32) -> (i32, i32) {
    %c0_i32 = arith.constant 0 : i32
    %c0_i32_0 = arith.constant 0 : i32
    return %arg0, %c0_i32 : i32, i32
  }
  func.func @transform_11(%arg0: i32) -> (i32, i32) {
    %c0_i32 = arith.constant 0 : i32
    %c0_i32_0 = arith.constant 0 : i32
    return %arg0, %c0_i32 : i32, i32
  }
}

module attributes {stable_mosaic.version = 14 : i64} {
  func.func @_tc3_body(%arg0: i32, %arg1: memref<2048x128xf32, #tpu.memory_space<vmem>>, %arg2: memref<1x2048x128xf32, #tpu.memory_space<vmem>>, %arg3: memref<1x2048x128xf32, #tpu.memory_space<vmem>>, %arg4: memref<128x128xf32, #tpu.memory_space<vmem>>, %arg5: memref<128x128xf32, #tpu.memory_space<vmem>>, %arg6: memref<1x128xf32, #tpu.memory_space<vmem>>, %arg7: memref<128x128xf32, #tpu.memory_space<vmem>>, %arg8: memref<1x128xf32, #tpu.memory_space<vmem>>, %arg9: memref<2048x128xf32, #tpu.memory_space<vmem>>) attributes {dimension_semantics = [#tpu.dimension_semantics<arbitrary>], iteration_bounds = array<i64: 5>, scalar_prefetch = 0 : i64, scratch_operands = 0 : i64, tpu.core_type = #tpu.core_type<tc>, window_params = [{transform_indices = @transform_0, window_bounds = array<i64: 2048, 128>}, {transform_indices = @transform_1, window_bounds = array<i64: 1, 2048, 128>}, {transform_indices = @transform_2, window_bounds = array<i64: 1, 2048, 128>}, {pipeline_mode = #tpu.pipeline_mode<synchronous>, transform_indices = @transform_3, window_bounds = array<i64: 128, 128>}, {pipeline_mode = #tpu.pipeline_mode<synchronous>, transform_indices = @transform_4, window_bounds = array<i64: 128, 128>}, {pipeline_mode = #tpu.pipeline_mode<synchronous>, transform_indices = @transform_5, window_bounds = array<i64: 1, 128>}, {pipeline_mode = #tpu.pipeline_mode<synchronous>, transform_indices = @transform_6, window_bounds = array<i64: 128, 128>}, {pipeline_mode = #tpu.pipeline_mode<synchronous>, transform_indices = @transform_7, window_bounds = array<i64: 1, 128>}, {transform_indices = @transform_8, window_bounds = array<i64: 2048, 128>}]} {
    %get3A = arith.constant 0 : index
    %get3A_0 = arith.constant 0 : index
    %get3A_1 = arith.constant 0 : index
    %get3A_2 = vector.load %arg2[%get3A, %get3A_0, %get3A_1] : memref<1x2048x128xf32, #tpu.memory_space<vmem>>, vector<1x2048x128xf32>
    %get3A_3 = vector.shape_cast %get3A_2 : vector<1x2048x128xf32> to vector<2048x128xf32>
    %get3A_4 = arith.constant 0 : index
    %get3A_5 = arith.constant 0 : index
    %get3A_6 = arith.constant 0 : index
    %get3A_7 = vector.load %arg3[%get3A_4, %get3A_5, %get3A_6] : memref<1x2048x128xf32, #tpu.memory_space<vmem>>, vector<1x2048x128xf32>
    %get3A_8 = vector.shape_cast %get3A_7 : vector<1x2048x128xf32> to vector<2048x128xf32>
    %add3A = arith.addf %get3A_3, %get3A_8 : vector<2048x128xf32>
    %get3A_9 = arith.constant 0 : index
    %get3A_10 = arith.constant 0 : index
    %get3A_11 = vector.load %arg1[%get3A_9, %get3A_10] : memref<2048x128xf32, #tpu.memory_space<vmem>>, vector<2048x128xf32>
    %get3A_12 = arith.constant 0 : index
    %get3A_13 = arith.constant 0 : index
    %get3A_14 = vector.load %arg4[%get3A_12, %get3A_13] : memref<128x128xf32, #tpu.memory_space<vmem>>, vector<128x128xf32>
    %dot_general3A = arith.constant dense<0.000000e+00> : vector<2048x128xf32>
    %dot_general3A_15 = tpu.matmul %get3A_11, %get3A_14, %dot_general3A {dimension_numbers = #tpu.dot_dimension_numbers<[1], [0], [0], [1], [0, 0, 1, 1], [], []>, transpose_lhs_hint = false} : vector<2048x128xf32>, vector<128x128xf32>, vector<2048x128xf32> -> vector<2048x128xf32>
    %get3A_16 = arith.constant 0 : index
    %get3A_17 = arith.constant 0 : index
    %get3A_18 = vector.load %arg5[%get3A_16, %get3A_17] : memref<128x128xf32, #tpu.memory_space<vmem>>, vector<128x128xf32>
    %dot_general3A_19 = arith.constant dense<0.000000e+00> : vector<2048x128xf32>
    %dot_general3A_20 = tpu.matmul %add3A, %get3A_18, %dot_general3A_19 {dimension_numbers = #tpu.dot_dimension_numbers<[1], [0], [0], [1], [0, 0, 1, 1], [], []>, transpose_lhs_hint = false} : vector<2048x128xf32>, vector<128x128xf32>, vector<2048x128xf32> -> vector<2048x128xf32>
    %add3A_21 = arith.addf %dot_general3A_15, %dot_general3A_20 : vector<2048x128xf32>
    %get3A_22 = arith.constant 0 : index
    %get3A_23 = arith.constant 0 : index
    %get3A_24 = vector.load %arg6[%get3A_22, %get3A_23] : memref<1x128xf32, #tpu.memory_space<vmem>>, vector<1x128xf32>
    %add3A_25 = vector.broadcast %get3A_24 : vector<1x128xf32> to vector<2048x128xf32>
    %add3A_26 = arith.addf %add3A_21, %add3A_25 : vector<2048x128xf32>
    %max3A = arith.constant 0.000000e+00 : f32
    %max3A_27 = vector.broadcast %max3A : f32 to vector<2048x128xf32>
    %max3A_28 = arith.maximumf %add3A_26, %max3A_27 : vector<2048x128xf32>
    %get3A_29 = arith.constant 0 : index
    %get3A_30 = arith.constant 0 : index
    %get3A_31 = vector.load %arg7[%get3A_29, %get3A_30] : memref<128x128xf32, #tpu.memory_space<vmem>>, vector<128x128xf32>
    %dot_general3A_32 = arith.constant dense<0.000000e+00> : vector<2048x128xf32>
    %dot_general3A_33 = tpu.matmul %max3A_28, %get3A_31, %dot_general3A_32 {dimension_numbers = #tpu.dot_dimension_numbers<[1], [0], [0], [1], [0, 0, 1, 1], [], []>, transpose_lhs_hint = false} : vector<2048x128xf32>, vector<128x128xf32>, vector<2048x128xf32> -> vector<2048x128xf32>
    %get3A_34 = arith.constant 0 : index
    %get3A_35 = arith.constant 0 : index
    %get3A_36 = vector.load %arg8[%get3A_34, %get3A_35] : memref<1x128xf32, #tpu.memory_space<vmem>>, vector<1x128xf32>
    %add3A_37 = vector.broadcast %get3A_36 : vector<1x128xf32> to vector<2048x128xf32>
    %add3A_38 = arith.addf %dot_general3A_33, %add3A_37 : vector<2048x128xf32>
    %swap3A = arith.constant 0 : index
    %swap3A_39 = arith.constant 0 : index
    %swap3A_40 = vector.load %arg9[%swap3A, %swap3A_39] : memref<2048x128xf32, #tpu.memory_space<vmem>>, vector<2048x128xf32>
    tpu.vector_store %arg9[%swap3A, %swap3A_39], %add3A_38 {strides = array<i32>} : memref<2048x128xf32, #tpu.memory_space<vmem>>, vector<2048x128xf32>,
    return
  }
  func.func @transform_0(%arg0: i32) -> (i32, i32) {
    %c0_i32 = arith.constant 0 : i32
    %c0_i32_0 = arith.constant 0 : i32
    return %arg0, %c0_i32 : i32, i32
  }
  func.func @transform_1(%arg0: i32) -> (i32, i32, i32) {
    %c0_i32 = arith.constant 0 : i32
    %c0_i32_0 = arith.constant 0 : i32
    %c0_i32_1 = arith.constant 0 : i32
    return %c0_i32, %arg0, %c0_i32_0 : i32, i32, i32
  }
  func.func @transform_2(%arg0: i32) -> (i32, i32, i32) {
    %c1_i32 = arith.constant 1 : i32
    %c0_i32 = arith.constant 0 : i32
    %c0_i32_0 = arith.constant 0 : i32
    return %c1_i32, %arg0, %c0_i32 : i32, i32, i32
  }
  func.func @transform_3(%arg0: i32) -> (i32, i32) {
    %c0_i32 = arith.constant 0 : i32
    %c0_i32_0 = arith.constant 0 : i32
    %c0_i32_1 = arith.constant 0 : i32
    return %c0_i32, %c0_i32_0 : i32, i32
  }
  func.func @transform_4(%arg0: i32) -> (i32, i32) {
    %c0_i32 = arith.constant 0 : i32
    %c0_i32_0 = arith.constant 0 : i32
    %c0_i32_1 = arith.constant 0 : i32
    return %c0_i32, %c0_i32_0 : i32, i32
  }
  func.func @transform_5(%arg0: i32) -> (i32, i32) {
    %c0_i32 = arith.constant 0 : i32
    %c0_i32_0 = arith.constant 0 : i32
    %c0_i32_1 = arith.constant 0 : i32
    return %c0_i32, %c0_i32_0 : i32, i32
  }
  func.func @transform_6(%arg0: i32) -> (i32, i32) {
    %c0_i32 = arith.constant 0 : i32
    %c0_i32_0 = arith.constant 0 : i32
    %c0_i32_1 = arith.constant 0 : i32
    return %c0_i32, %c0_i32_0 : i32, i32
  }
  func.func @transform_7(%arg0: i32) -> (i32, i32) {
    %c0_i32 = arith.constant 0 : i32
    %c0_i32_0 = arith.constant 0 : i32
    %c0_i32_1 = arith.constant 0 : i32
    return %c0_i32, %c0_i32_0 : i32, i32
  }
  func.func @transform_8(%arg0: i32) -> (i32, i32) {
    %c0_i32 = arith.constant 0 : i32
    %c0_i32_0 = arith.constant 0 : i32
    return %arg0, %c0_i32 : i32, i32
  }
}

</mosaic_0001>

<sc_bundles>
// kernel: kernel.10.cloned.1.call-start
scs
__scs_entry_jumppad:
0x0: {  	(pc) =	sbr.rel $0x88, $3  }
0x1: {  	(tag) =	ssettag $0x0;
	lr =	simm.s32 $0x1  }
0x2: {  	[smem:$0x3F90] =	sst lr;
	_ =	strace $0xD0000000  }
0x3: {  	_ = 	snop  }
0x4: {  	_ = 	snop  }
0x5: {  	_ = 	snop  }
0x6: {  	_ = 	snop  }
0x7: {  	_ = 	snop  }
__scs_overlays_trampoline_lowered:
0x8: {  	[smem:$0x3F9F] =	sst s0  }
0x9: {  	[smem:$0x3FA0] =	sst s1  }
0xa: {  	[smem:$0x3FA1] =	sst s2  }
0xb: {  	[smem:$0x3FA2] =	sst s3  }
0xc: {  	[smem:$0x3FA3] =	sst s4  }
0xd: {  	[smem:$0x3FA4] =	sst s5  }
0xe: {  	[smem:$0x3FA5] =	sst s6  }
0xf: {  	[smem:$0x3FA6] =	sst s7  }
0x10: {  	[smem:$0x3FA7] =	sst s8  }
0x11: {  	[smem:$0x3FA8] =	sst s9;
	s0 =	simm.s32 @!p0 $0x0  }
0x12: {  	s1 =	sld [smem:$0x3F8E];
	s0 =	simm.s32 @p0 $0x1  }
0x13: {  	[smem:$0x3FA9] =	sst s0;
	s0 =	simm.s32 @!p1 $0x0  }
0x14: {  	s2 =	sld [smem:$0x3F8D];
	s0 =	simm.s32 @p1 $0x1  }
0x15: {  	[smem:$0x3FAA] =	sst s0;
	s0 =	simm.s32 @!p2 $0x0  }
0x16: {  	s3 =	sld [smem:$0x3FDB];
	s0 =	simm.s32 @p2 $0x1  }
0x17: {  	s4 =	simm.s32 $0x1BF5;
	[smem:$0x3FAC] =	sst s0  }
0x18: {  	s0 =	sld [smem:$0x3F8F];
	_ =	swait.ge [sflag:s4], $0x0  }
0x19: {  	s7 =	sld [smem:$0x3F90]  }
0x1a: {  	s8 =	sadd.s32 $0xFFFFE003, lr  }
0x1b: {  	s9 =	sadd.s32 $0xFFFFFEF7, lr;
	s5 =	simm.s32 $0xFFFFFFFF;
	p2 =	slt.u32 s8, $0xFFFFF086  }
0x1c: {  	p1 =	slt.u32 s9, $0xF7A;
	s5 =	simm.s32 @!p2 $0x0  }
0x1d: {  	s5 =	simm.s32 @p1 $0x1;
	p0 =	seq.s32 s7, s2  }
0x1e: {  	s7 =	smul.u32 @!p0 $0xF7A, s2;
	p2 =	seq.s32 @!p0 s5, $0x0  }
0x1f: {  	s9 =	smul.u32 $0xF7A, s1;
	s8 =	simm.s32 @!p0 $0x1BF5;
	p2 =	por !p2, p0  }
0x20: {  	[sflag:s8] =	ssyncset.s32 @!p0 $0xFFFFF086;
	s6 =	sadd.s32 @!p0 s3, s7;
	s7 =	simm.s32 @!p0 $0x108  }
0x21: {  	s3 =	sadd.s32 s3, s9;
	s6 =	sadd.s32 @!p0 $0x88, s6;
	s7 =	simm.s32 @p2 $0x1082  }
0x22: {  	[simem:s7], [sflag:s8] =	dma.local @!p0 [hbm:s6], $0xF7A  }
0x23: {  	s9 =	sor.u32 $0xD0000000, s2;
	s6 =	simm.s32 $0x108;
	_ =	swait.ge @!p0 [sflag:s8], $0x0  }
0x24: {  	s3 =	sadd.s32 $0x88, s3;
	s6 =	simm.s32 @!p1 $0x1082;
	[sflag:s4] =	ssyncset.s32 $0xFFFFF086  }
0x25: {  	[simem:s6], [sflag:s4] =	dma.local [hbm:s3], $0xF7A  }
0x26: {  	[smem:$0x3F90] =	sst s1;
	(tag) =	ssettag s2;
	_ =	strace s9  }
0x27: {  	s1 =	sld [smem:$0x3FA0]  }
0x28: {  	s2 =	sld [smem:$0x3FA1]  }
0x29: {  	s4 =	sld [smem:$0x3FA3]  }
0x2a: {  	p0 =	seq.s32 s5, $0x0;
	s5 =	sld [smem:$0x3FA4]  }
0x2b: {  	s6 =	sld [smem:$0x3FA5]  }
0x2c: {  	s7 =	sld [smem:$0x3FA6]  }
0x2d: {  	s3 =	simm.s32 $0x108;
	s8 =	sld [smem:$0x3FA7]  }
0x2e: {  	s3 =	simm.s32 @!p0 $0x1082;
	s9 =	sld [smem:$0x3FA8]  }
0x2f: {  	lr =	sadd.s32 s0, s3;
	s0 =	sld [smem:$0x3F9F]  }
0x30: {  	s3 =	sld [smem:$0x3FA2]  }
0x31: {  	[smem:$0x3FAB] =	sst s10  }
0x32: {  	s10 =	sld [smem:$0x3FA9];
	_ =	sdelay $0x3  }
0x33: {  	p0 =	seq.s32 s10, $0x1;
	s10 =	sld [smem:$0x3FAB];
	_ =	sdelay $0x3  }
0x34: {  	[smem:$0x3FAB] =	sst s10  }
0x35: {  	s10 =	sld [smem:$0x3FAA];
	_ =	sdelay $0x3  }
0x36: {  	p1 =	seq.s32 s10, $0x1;
	s10 =	sld [smem:$0x3FAB];
	_ =	sdelay $0x3  }
0x37: {  	[smem:$0x3FAB] =	sst s10  }
0x38: {  	s10 =	sld [smem:$0x3FAC]  }
0x39: {  	_ = 	snop;
	(pc) =	sbr.ind lr, $3  }
0x3a: {  	_ = 	snop  }
0x3b: {  	_ = 	snop  }
0x3c: {  	p2 =	seq.s32 s10, $0x1;
	s10 =	sld [smem:$0x3FAB]  }
0x3d: {  	_ =	shalt  }
0x3e: {  	_ =	shalt  }
0x3f: {  	_ =	shalt  }
0x40: {  	_ =	shalt  }
0x41: {  	_ =	shalt  }
0x42: {  	_ =	shalt  }
0x43: {  	_ =	shalt  }
0x44: {  	_ =	shalt  }
0x45: {  	_ =	shalt  }
0x46: {  	_ =	shalt  }
0x47: {  	_ =	shalt  }
0x48: {  	_ =	shalt  }
0x49: {  	_ =	shalt  }
0x4a: {  	_ =	shalt  }
0x4b: {  	_ =	shalt  }
0x4c: {  	_ =	shalt  }
0x4d: {  	_ =	shalt  }
0x4e: {  	_ =	shalt  }
0x4f: {  	_ =	shalt  }
0x50: {  	_ =	shalt  }
0x51: {  	_ =	shalt  }
0x52: {  	_ =	shalt  }
0x53: {  	_ =	shalt  }
0x54: {  	_ =	shalt  }
0x55: {  	_ =	shalt  }
0x56: {  	_ =	shalt  }
0x57: {  	_ =	shalt  }
0x58: {  	_ =	shalt  }
0x59: {  	_ =	shalt  }
0x5a: {  	_ =	shalt  }
0x5b: {  	_ =	shalt  }
0x5c: {  	_ =	shalt  }
0x5d: {  	_ =	shalt  }
0x5e: {  	_ =	shalt  }
0x5f: {  	_ =	shalt  }
0x60: {  	_ =	shalt  }
0x61: {  	_ =	shalt  }
0x62: {  	_ =	shalt  }
0x63: {  	_ =	shalt  }
0x64: {  	_ =	shalt  }
0x65: {  	_ =	shalt  }
0x66: {  	_ =	shalt  }
0x67: {  	_ =	shalt  }
0x68: {  	_ =	shalt  }
0x69: {  	_ =	shalt  }
0x6a: {  	_ =	shalt  }
0x6b: {  	_ =	shalt  }
0x6c: {  	_ =	shalt  }
0x6d: {  	_ =	shalt  }
0x6e: {  	_ =	shalt  }
0x6f: {  	_ =	shalt  }
0x70: {  	_ =	shalt  }
0x71: {  	_ =	shalt  }
0x72: {  	_ =	shalt  }
0x73: {  	_ =	shalt  }
0x74: {  	_ =	shalt  }
0x75: {  	_ =	shalt  }
0x76: {  	_ =	shalt  }
0x77: {  	_ =	shalt  }
0x78: {  	_ =	shalt  }
0x79: {  	_ =	shalt  }
0x7a: {  	_ =	shalt  }
0x7b: {  	_ =	shalt  }
0x7c: {  	_ =	shalt  }
0x7d: {  	_ =	shalt  }
0x7e: {  	_ =	shalt  }
0x7f: {  	_ =	shalt  }
0x80: {  	_ =	shalt  }
0x81: {  	_ =	shalt  }
0x82: {  	_ =	shalt  }
0x83: {  	_ =	shalt  }
0x84: {  	_ =	shalt  }
0x85: {  	_ =	shalt  }
0x86: {  	_ =	shalt  }
0x87: {  	_ =	shalt  }
.Lfunc_end0:
.L_simem_size_0:
called_computation.1_lowered:
.L_overlay_start_0:
0x88: {  	s2 =	sld [smem:$0x3FD9]  }
0x89: {  	s3 =	sld [smem:$0x3FFE];
	_ =	sdelay $0x1  }
0x8a: {  	s1 =	srdreg.scid  }
0x8b: {  	s0 =	sand.u32 $0x1, s1  }
0x8c: {  	s16 =	sshll.u32 s0, $0xA;
	s2 =	sadd.s32 s3, s2  }
0x8d: {  	s2 =	sadd.s32 s2, s16  }
0x8e: {  	[smem:$0x3FB7] =	sst s2  }
0x8f: {  	_ = 	snop  }
0x90: {  	(tm) =	ssettm $0x1  }
0x91: {  	s17 =	sld [smem:$0x3FFB];
	_ =	sdelay $0x3  }
0x92: {  	_ =	strace s17  }
0x93: {  	s2 =	sld [smem:$0x3FFC];
	_ =	sdelay $0x3  }
0x94: {  	_ =	strace s2  }
0x95: {  	s2 =	sld [smem:$0x3FFD];
	_ =	sdelay $0x3  }
0x96: {  	_ =	strace s2  }
0x97: {  	_ =	strace $0x8FFFFFFF  }
0x98: {  	s18 =	sld [smem:$0x3FDB];
	_ =	sdelay $0x1  }
0x99: {  	s19 =	simm.s32 $_scs_section_size  }
0x9a: {  	s4 =	simm.s32 $_size__tile_overlayer_lowered;
	s5 =	simm.s32 $_tile_overlayer_lowered  }
0x9b: {  	s22 =	simm.s32 $0x1BFF;
	s21 =	sshll.u32 s5, $0x1;
	s2 =	sadd.s32 s19, s18  }
0x9c: {  	s6 =	simm.s32 $0x0;
	s20 =	sshll.u32 s4, $0x1;
	s4 =	sadd.s32 s21, s2  }
0x9d: {  	[timem:s6], [sflag:s22] =	dma.local [hbm:s4], s20  }
0x9e: {  	_ =	swait.ge [sflag:s22], s20  }
0x9f: {  	s3 =	ssub.s32 $0x0, s20;
	[sflag:s22] =	ssyncset.done $0x0  }
0xa0: {  	[sflag:s22] =	ssyncadd.s32 s3;
	_ =	sdelay $0x1  }
0xa1: {  	s23 =	simm.s32 $0x1B8B  }
0xa2: {  	_ =	swait.ge [sflag:s23], $0x1  }
0xa3: {  	[sflag:s23] =	ssyncset.done $0x0  }
0xa4: {  	s25 =	simm.s32 $0x1B8E;
	s24 =	sld [smem:$0x3FFE];
	[sflag:s23] =	ssyncadd.s32 $0xFFFFFFFF  }
0xa5: {  	s26 =	simm.s32 $execute0_lowered;
	[smem:$0x3FD2] =	sst s25  }
0xa6: {  	s4 =	sshll.u32 s26, $0x1;
	_ =	strace $0x80000049;
	[dreg:$0x1] =	wrdreg $0xFFFFFFFF  }
0xa7: {  	s28 =	simm.s32 $_size_execute0_lowered;
	s2 =	sadd.s32 s2, s4;
	[dreg:$0x0] =	wrdreg $0x0  }
0xa8: {  	s4 =	sshll.u32 s28, $0x1;
	[dreg:$0x2] =	wrdreg s2  }
0xa9: {  	[dreg:$0x3] =	wrdreg s4  }
0xaa: {  	[dreg:$0x4] =	wrdreg $0xC0  }
0xab: {  	_ =	task [dreg:s6], $0x5FFFF  }
0xac: {  	[dreg:$0x1] =	wrdreg $0xFFFFFFFF  }
0xad: {  	[dreg:$0x0] =	wrdreg $0x60  }
0xae: {  	[dreg:$0x2] =	wrdreg s24  }
0xaf: {  	[dreg:$0x3] =	wrdreg $0xC3000  }
0xb0: {  	[dreg:$0x4] =	wrdreg $0x9  }
0xb1: {  	_ =	task.clear_ibuf [dreg:s6], $0x5FFFF;
	_ =	strace $0x90000049  }
0xb2: {  	s29 =	simm.s32 $0x9;
	_ =	strace $0x8000004B  }
0xb3: {  	_ =	swait.ge [sflag:s29], $0x1  }
0xb4: {  	[sflag:s29] =	ssyncadd.s32 $0xFFFFFFFF  }
0xb5: {  	_ =	strace $0x9000004B  }
0xb6: {  	_ =	sfence  }
0xb7: {  	s30 =	sld [smem:$0x0];
	_ =	sdelay $0x2  }
0xb8: {  	s31 =	sshll.u32 s1, $0xD;
	s1 =	sshrl.u32 s1, $0x2  }
0xb9: {  	s3 =	sand.u32 $0x4000, s31;
	s1 =	sadd.s32 s1, s30  }
0xba: {  	s0 =	sor.u32 s3, s0;
	s1 =	sshll.u32 s1, $0x11  }
0xbb: {  	s0 =	sor.u32 s1, s0  }
0xbc: {  	s0 =	sadd.s32 $0x8F2B, s0  }
0xbd: {  	[sflag:s0] =	ssyncadd.remote.s32 $0x1  }
0xbe: {  	_ =	sfence.sel $0xFFFF  }
0xbf: {  	[dreg:$0x0] =	wrdreg $0xFFFFFFFF;
	(pc) =	sbr.abs _section_cstart, $3  }
0xc0: {  	[dreg:$0x1] =	wrdreg $0xFFFFFFFF  }
0xc1: {  	_ =	task.clear_ibuf [dreg:s6], $0x2FFFF;
	_ =	strace $0x9FFFFFFF  }
0xc2: {  	(tm) =	ssettm $0x7FFFFFFF  }
0xc3: {  	_ =	shalt  }
tec
execute0_lowered:
.L_overlay_start_1:
0x0: {  	(tag) =	ssettag $0x1  }
0x1: {  	s0 =	rddreg [dreg:$0x0];
	s1 =	srdreg.scid  }
0x2: {  	s2 =	rddreg [dreg:$0x1];
	s12 =	stileid.u32;
	s3 =	simm.s32 $0x0  }
0x3: {  	s28 =	simm.s32 $0x1;
	s29 =	simm.s32 $0x7;
	s5 =	smul.u32 $0x13C00, s12  }
0x4: {  	s30 =	simm.s32 $0x6;
	s31 =	simm.s32 $0x8300;
	s6 =	smul.u32 $0x4F000, s12  }
0x5: {  	s1 =	sand.u32 $0x1, s1;
	[smem:$0x7FF] =	sst s3;
	s25 =	smul.u32 $0x500, s12  }
0x6: {  	s7 =	sadd.s32 $0x2600, s0;
	s8 =	sadd.s32 $0xC600, s0;
	s4 =	smul.u32 $0x140000, s1  }
0x7: {  	_ =	strace $0x8000004A;
	s9 =	ssub.s32 $0x2, s1;
	s15 =	sshll.u32 s1, $0x4  }
0x8: {  	s1 =	smul.u32 $0x5000, s1;
	s6 =	sshrl.u32 s6, $0x2;
	s10 =	sshrl.u32 s9, $0x1  }
0x9: {  	s11 =	sor.u32 s12, s15;
	s5 =	sadd.s32 s5, s4;
	s4 =	sadd.s32 $0x16600, s0  }
0xa: {  	s16 =	ssub.s32 s9, s10;
	s18 =	smul.u32 $0x500, s11;
	s26 =	sadd.s32 s1, s7  }
0xb: {  	s1 =	sadd.s32 s1, s8;
	s5 =	sshrl.u32 s5, $0x3;
	s15 =	smax.u32 s16, $0x1  }
0xc: {  	s16 =	sadd.s32 s25, s1;
	s0 =	sadd.s32 s5, s0;
	s22 =	sadd.s32 s7, s18  }
0xd: {  	s5 =	sadd.s32 s6, s2;
	s9 =	sadd.s32 s8, s18;
	[dreg:$0x8] =	wrdreg s22  }
0xe: {  	s1 =	simm.s32 $0x8;
	s17 =	sadd.s32 $0x4000, s5;
	[dreg:$0x9] =	wrdreg s9  }
0xf: {  	s23 =	sor.u32 $0x10, s18;
	s19 =	sadd.s32 $0x8000, s5;
	[dreg:$0x4] =	wrdreg s17  }
0x10: {  	s18 =	simm.s32 $0xA;
	s20 =	sadd.s32 $0xC000, s5;
	[dreg:$0x5] =	wrdreg s19  }
0x11: {  	s6 =	simm.s32 $0x3;
	s21 =	sadd.s32 $0x10000, s5;
	[dreg:$0x6] =	wrdreg s20  }
0x12: {  	s24 =	sadd.s32 s7, s23;
	s10 =	sadd.s32 s8, s23;
	[dreg:$0x7] =	wrdreg s21  }
0x13: {  	s0 =	sadd.s32 $0x3E600, s0;
	s22 =	simm.s32 $0x4;
	[dreg:$0xa] =	wrdreg s24  }
0x14: {  	s23 =	simm.s32 $0x100;
	s7 =	simm.s32 $0x9;
	[dreg:$0xb] =	wrdreg s10  }
0x15: {  	s8 =	simm.s32 $0x0;
	[dreg:$0xc] =	wrdreg s0;
	s0 =	sadd.s32 s25, s26  }
0x16: {  	s17 =	simm.s32 $0x300;
	s19 =	simm.s32 $0x180;
	s20 =	simm.s32 $0x80  }
0x17: {  	s21 =	simm.s32 $0x200;
	s24 =	simm.s32 $0x280;
	s25 =	simm.s32 $0x5  }
0x18: {  	v0 =	vimm.f32 $0.0e+00;
	s26 =	simm.s32 $0x4300;
	[dreg:$0x3] =	wrdreg s0;
	s0 =	simm.s32 $0x2  }
.LBB2_1:
0x19: {  	s9 =	simm.s32 $0x0;
	s10 =	simm.s32 $0x200  }
.LBB2_2:
0x1a: {  	p0 =	sne.s32 s10, $0xFE00;
	[tilespmem:s9+$0x370] =	vst v0  }
0x1b: {  	[tilespmem:s9+$0x300] =	vst v0  }
0x1c: {  	[tilespmem:s9+$0x310] =	vst v0  }
.Ltmp0:
0x1d: {  	[tilespmem:s9+$0x320] =	vst v0;
	(pc) =	sbr.rel @p0 .LBB2_2-.Ltmp0, $4  }
0x1e: {  	[tilespmem:s9+$0x330] =	vst v0  }
0x1f: {  	[tilespmem:s9+$0x340] =	vst v0  }
0x20: {  	[tilespmem:s9+$0x350] =	vst v0  }
0x21: {  	[tilespmem:s9+$0x360] =	vst v0;
	s9 =	sshra.s32 s10, $0x2;
	s10 =	sadd.s32 $0x200, s10  }
0x22: {  	[tilespmem:s9+$0x370] =	vst v0  }
0x23: {  	[tilespmem:s9+$0x300] =	vst v0  }
0x24: {  	[tilespmem:s9+$0x310] =	vst v0  }
0x25: {  	[tilespmem:s9+$0x320] =	vst v0  }
0x26: {  	[tilespmem:s9+$0x330] =	vst v0  }
0x27: {  	[tilespmem:s9+$0x340] =	vst v0  }
0x28: {  	[tilespmem:s9+$0x350] =	vst v0  }
0x29: {  	[tilespmem:s9+$0x360] =	vst v0  }
0x2a: {  	[spmem:s5] =	stream.linear.scatter [tilespmem:s17], [sflag:$0xA], $0x4000, $0x38;
	[tilespmem:$0x1FF00] =	vst v63  }
0x2b: {  	_ =	swait.ge [sflag:s18], $0x4000  }
0x2c: {  	[sflag:s18] =	ssyncset.done $0x0  }
0x2d: {  	s10 =	rddreg [dreg:$0x4];
	[sflag:s18] =	ssyncadd.s32 $0xFFFFC000  }
0x2e: {  	[spmem:s10] =	stream.linear.scatter [tilespmem:s17], [sflag:$0xA], $0x4000, $0x38;
	[tilespmem:$0x1FF00] =	vst v63  }
0x2f: {  	_ =	swait.ge [sflag:s18], $0x4000  }
0x30: {  	[sflag:s18] =	ssyncset.done $0x0  }
0x31: {  	s11 =	rddreg [dreg:$0x5];
	[sflag:s18] =	ssyncadd.s32 $0xFFFFC000  }
0x32: {  	[spmem:s11] =	stream.linear.scatter [tilespmem:s17], [sflag:$0xA], $0x4000, $0x38;
	[tilespmem:$0x1FF00] =	vst v63  }
0x33: {  	_ =	swait.ge [sflag:s18], $0x4000  }
0x34: {  	[sflag:s18] =	ssyncset.done $0x0  }
0x35: {  	s12 =	rddreg [dreg:$0x6];
	[sflag:s18] =	ssyncadd.s32 $0xFFFFC000  }
0x36: {  	[spmem:s12] =	stream.linear.scatter [tilespmem:s17], [sflag:$0xA], $0x4000, $0x38;
	[tilespmem:$0x1FF00] =	vst v63  }
0x37: {  	_ =	swait.ge [sflag:s18], $0x4000  }
0x38: {  	[sflag:s18] =	ssyncset.done $0x0  }
0x39: {  	s13 =	rddreg [dreg:$0x7];
	[sflag:s18] =	ssyncadd.s32 $0xFFFFC000  }
0x3a: {  	[spmem:s13] =	stream.linear.scatter [tilespmem:s17], [sflag:$0xA], $0x3C00, $0x38;
	[tilespmem:$0x1FF00] =	vst v63  }
0x3b: {  	_ =	swait.ge [sflag:s18], $0x3C00  }
0x3c: {  	[sflag:s18] =	ssyncset.done $0x0  }
0x3d: {  	[sflag:s18] =	ssyncadd.s32 $0xFFFFC400  }
0x3e: {  	[bflag:$0x0] =	sbarrier.arrive $0xFFFF  }
0x3f: {  	s9 =	simm.s32 $0x0;
	s10 =	rddreg [dreg:$0x8]  }
0x40: {  	[tilespmem:s9], [sflag:$0x4] =	stream.linear.gather [hbm4b:s10+s9], $0x80, $0x38;
	[tilespmem:$0x1FF00] =	vst v63  }
0x41: {  	s14 =	rddreg [dreg:$0x9]  }
0x42: {  	[tilespmem:s19], [sflag:$0x7] =	stream.linear.gather [hbm4b:s14+s9], $0x80, $0x38;
	[tilespmem:$0x1FF00] =	vst v63  }
0x43: {  	s11 =	rddreg [dreg:$0xa]  }
0x44: {  	[tilespmem:s20], [sflag:$0x5] =	stream.linear.gather [hbm4b:s11+s9], $0x80, $0x38;
	[tilespmem:$0x1FF00] =	vst v63  }
0x45: {  	s12 =	rddreg [dreg:$0xb]  }
0x46: {  	[tilespmem:s21], [sflag:$0x8] =	stream.linear.gather [hbm4b:s12+s9], $0x80, $0x38;
	[tilespmem:$0x1FF00] =	vst v63  }
0x47: {  	_ =	swait.ge [sflag:s22], $0x80  }
0x48: {  	[sflag:s22] =	ssyncset.done $0x0  }
0x49: {  	s13 =	rddreg [dreg:$0x3];
	[sflag:s22] =	ssyncadd.s32 $0xFFFFFF80  }
0x4a: {  	[tilespmem:s17], [sflag:$0x1] =	stream.indirect.gather [hbm4b:s4+s20], $0x80, s9, s20, $0xb8;
	[tilespmem:$0x1FF00] =	vst v63  }
0x4b: {  	s9 =	sadd.s32 $0x0, s13  }
0x4c: {  	s11 =	sadd.s32 $0x0, s16;
	s10 =	sadd.s32 $0x20, s9  }
0x4d: {  	[tilespmem:s23], [sflag:$0x6] =	stream.linear.gather [hbm4b:s10+s3], $0x80, $0x38;
	[tilespmem:$0x1FF00] =	vst v63  }
0x4e: {  	s14 =	sadd.s32 $0x20, s11  }
0x4f: {  	[tilespmem:s24], [sflag:$0x9] =	stream.linear.gather [hbm4b:s14+s3], $0x80, $0x38;
	[tilespmem:$0x1FF00] =	vst v63  }
0x50: {  	_ =	swait.ge [sflag:s25], $0x80  }
0x51: {  	[sflag:s25] =	ssyncset.done $0x0  }
0x52: {  	[sflag:s25] =	ssyncadd.s32 $0xFFFFFF80  }
0x53: {  	[tilespmem:s26], [sflag:$0x2] =	stream.indirect.gather [hbm4b:s4+s20], $0x80, s20, s20, $0xb8;
	[tilespmem:$0x1FF00] =	vst v63  }
0x54: {  	_ =	swait.ge [sflag:s28], $0x4000  }
0x55: {  	[sflag:s28] =	ssyncset.done $0x0  }
0x56: {  	[sflag:s28] =	ssyncadd.s32 $0xFFFFC000  }
0x57: {  	_ =	swait.ge [sflag:s29], $0x80  }
0x58: {  	[sflag:s29] =	ssyncset.done $0x0  }
0x59: {  	[sflag:s29] =	ssyncadd.s32 $0xFFFFFF80  }
0x5a: {  	[spmem:s2] =	stream.indirect.scatter.add.f32 [tilespmem:s17], [sflag:$0xA], $0x80, s19, s20, $0xb8;
	[tilespmem:$0x1FF00] =	vst v63  }
0x5b: {  	_ =	swait.ge [sflag:s18], $0x4000  }
0x5c: {  	[sflag:s18] =	ssyncset.done $0x0  }
0x5d: {  	s12 =	sadd.s32 $0x30, s9;
	[sflag:s18] =	ssyncadd.s32 $0xFFFFC000  }
0x5e: {  	[tilespmem:s3], [sflag:$0x4] =	stream.linear.gather [hbm4b:s12+s3], $0x80, $0x38;
	[tilespmem:$0x1FF00] =	vst v63  }
0x5f: {  	s13 =	sadd.s32 $0x30, s11  }
0x60: {  	[tilespmem:s19], [sflag:$0x7] =	stream.linear.gather [hbm4b:s13+s3], $0x80, $0x38;
	[tilespmem:$0x1FF00] =	vst v63  }
0x61: {  	_ =	swait.ge [sflag:s30], $0x80  }
0x62: {  	[sflag:s30] =	ssyncset.done $0x0  }
0x63: {  	[sflag:s30] =	ssyncadd.s32 $0xFFFFFF80  }
0x64: {  	[tilespmem:s31], [sflag:$0x3] =	stream.indirect.gather [hbm4b:s4+s20], $0x80, s23, s20, $0xb8;
	[tilespmem:$0x1FF00] =	vst v63  }
0x65: {  	_ =	swait.ge [sflag:s0], $0x4000  }
0x66: {  	[sflag:s0] =	ssyncset.done $0x0  }
0x67: {  	[sflag:s0] =	ssyncadd.s32 $0xFFFFC000  }
0x68: {  	_ =	swait.ge [sflag:s1], $0x80  }
0x69: {  	[sflag:s1] =	ssyncset.done $0x0  }
0x6a: {  	[sflag:s1] =	ssyncadd.s32 $0xFFFFFF80  }
0x6b: {  	[spmem:s2] =	stream.indirect.scatter.add.f32 [tilespmem:s26], [sflag:$0xA], $0x80, s21, s20, $0xb8;
	[tilespmem:$0x1FF00] =	vst v63  }
0x6c: {  	_ =	swait.ge [sflag:s18], $0x4000  }
0x6d: {  	[sflag:s18] =	ssyncset.done $0x0  }
0x6e: {  	s9 =	sadd.s32 $0x40, s9;
	[sflag:s18] =	ssyncadd.s32 $0xFFFFC000  }
0x6f: {  	[tilespmem:s20], [sflag:$0x5] =	stream.linear.gather [hbm4b:s9+s3], $0x80, $0x38;
	[tilespmem:$0x1FF00] =	vst v63  }
0x70: {  	s14 =	sadd.s32 $0x40, s11  }
0x71: {  	[tilespmem:s21], [sflag:$0x8] =	stream.linear.gather [hbm4b:s14+s3], $0x80, $0x38;
	[tilespmem:$0x1FF00] =	vst v63  }
0x72: {  	_ =	swait.ge [sflag:s22], $0x80  }
0x73: {  	[sflag:s22] =	ssyncset.done $0x0  }
0x74: {  	[sflag:s22] =	ssyncadd.s32 $0xFFFFFF80  }
0x75: {  	[tilespmem:s17], [sflag:$0x1] =	stream.indirect.gather [hbm4b:s4+s20], $0x80, s3, s20, $0xb8;
	[tilespmem:$0x1FF00] =	vst v63  }
0x76: {  	_ =	swait.ge [sflag:s6], $0x4000  }
0x77: {  	[sflag:s6] =	ssyncset.done $0x0  }
0x78: {  	[sflag:s6] =	ssyncadd.s32 $0xFFFFC000  }
0x79: {  	_ =	swait.ge [sflag:s7], $0x80  }
0x7a: {  	[sflag:s7] =	ssyncset.done $0x0  }
0x7b: {  	[sflag:s7] =	ssyncadd.s32 $0xFFFFFF80  }
0x7c: {  	[spmem:s2] =	stream.indirect.scatter.add.f32 [tilespmem:s31], [sflag:$0xA], $0x80, s24, s20, $0xb8;
	[tilespmem:$0x1FF00] =	vst v63  }
0x7d: {  	s10 =	simm.s32 $0x60;
	_ =	swait.ge [sflag:s18], $0x4000  }
0x7e: {  	s9 =	simm.s32 $0x30;
	s11 =	rddreg [dreg:$0x3];
	[sflag:s18] =	ssyncset.done $0x0  }
.LBB2_4:
0x7f: {  	s12 =	sadd.s32 s9, s11  }
0x80: {  	[sflag:s18] =	ssyncadd.s32 $0xFFFFC000;
	s11 =	sadd.s32 s9, s16;
	s14 =	sadd.s32 $0x20, s12  }
0x81: {  	[tilespmem:s23], [sflag:$0x6] =	stream.linear.gather [hbm4b:s14+s3], $0x80, $0x38;
	[tilespmem:$0x1FF00] =	vst v63  }
0x82: {  	s14 =	sadd.s32 $0x20, s11  }
0x83: {  	[tilespmem:s24], [sflag:$0x9] =	stream.linear.gather [hbm4b:s14+s3], $0x80, $0x38;
	[tilespmem:$0x1FF00] =	vst v63  }
0x84: {  	_ =	swait.ge [sflag:s25], $0x80  }
0x85: {  	[sflag:s25] =	ssyncset.done $0x0  }
0x86: {  	[sflag:s25] =	ssyncadd.s32 $0xFFFFFF80  }
0x87: {  	[tilespmem:s26], [sflag:$0x2] =	stream.indirect.gather [hbm4b:s4+s20], $0x80, s20, s20, $0xb8;
	[tilespmem:$0x1FF00] =	vst v63  }
0x88: {  	_ =	swait.ge [sflag:s28], $0x4000  }
0x89: {  	[sflag:s28] =	ssyncset.done $0x0  }
0x8a: {  	[sflag:s28] =	ssyncadd.s32 $0xFFFFC000  }
0x8b: {  	_ =	swait.ge [sflag:s29], $0x80  }
0x8c: {  	[sflag:s29] =	ssyncset.done $0x0  }
0x8d: {  	[sflag:s29] =	ssyncadd.s32 $0xFFFFFF80  }
0x8e: {  	[spmem:s2] =	stream.indirect.scatter.add.f32 [tilespmem:s17], [sflag:$0xA], $0x80, s19, s20, $0xb8;
	[tilespmem:$0x1FF00] =	vst v63  }
0x8f: {  	_ =	swait.ge [sflag:s18], $0x4000  }
0x90: {  	[sflag:s18] =	ssyncset.done $0x0  }
0x91: {  	s14 =	sadd.s32 $0x30, s12;
	[sflag:s18] =	ssyncadd.s32 $0xFFFFC000  }
0x92: {  	[tilespmem:s3], [sflag:$0x4] =	stream.linear.gather [hbm4b:s14+s3], $0x80, $0x38;
	[tilespmem:$0x1FF00] =	vst v63  }
0x93: {  	s14 =	sadd.s32 $0x30, s11  }
0x94: {  	[tilespmem:s19], [sflag:$0x7] =	stream.linear.gather [hbm4b:s14+s3], $0x80, $0x38;
	[tilespmem:$0x1FF00] =	vst v63  }
0x95: {  	_ =	swait.ge [sflag:s30], $0x80  }
0x96: {  	[sflag:s30] =	ssyncset.done $0x0  }
0x97: {  	[sflag:s30] =	ssyncadd.s32 $0xFFFFFF80  }
0x98: {  	[tilespmem:s31], [sflag:$0x3] =	stream.indirect.gather [hbm4b:s4+s20], $0x80, s23, s20, $0xb8;
	[tilespmem:$0x1FF00] =	vst v63  }
0x99: {  	_ =	swait.ge [sflag:s0], $0x4000  }
0x9a: {  	[sflag:s0] =	ssyncset.done $0x0  }
0x9b: {  	[sflag:s0] =	ssyncadd.s32 $0xFFFFC000  }
0x9c: {  	_ =	swait.ge [sflag:s1], $0x80  }
0x9d: {  	[sflag:s1] =	ssyncset.done $0x0  }
0x9e: {  	[sflag:s1] =	ssyncadd.s32 $0xFFFFFF80  }
0x9f: {  	[spmem:s2] =	stream.indirect.scatter.add.f32 [tilespmem:s26], [sflag:$0xA], $0x80, s21, s20, $0xb8;
	[tilespmem:$0x1FF00] =	vst v63  }
0xa0: {  	_ =	swait.ge [sflag:s18], $0x4000  }
0xa1: {  	[sflag:s18] =	ssyncset.done $0x0  }
0xa2: {  	s12 =	sadd.s32 $0x40, s12;
	[sflag:s18] =	ssyncadd.s32 $0xFFFFC000  }
0xa3: {  	[tilespmem:s20], [sflag:$0x5] =	stream.linear.gather [hbm4b:s12+s3], $0x80, $0x38;
	[tilespmem:$0x1FF00] =	vst v63  }
0xa4: {  	s11 =	sadd.s32 $0x40, s11  }
0xa5: {  	[tilespmem:s21], [sflag:$0x8] =	stream.linear.gather [hbm4b:s11+s3], $0x80, $0x38;
	[tilespmem:$0x1FF00] =	vst v63  }
0xa6: {  	_ =	swait.ge [sflag:s22], $0x80  }
0xa7: {  	[sflag:s22] =	ssyncset.done $0x0  }
0xa8: {  	[sflag:s22] =	ssyncadd.s32 $0xFFFFFF80  }
0xa9: {  	[tilespmem:s17], [sflag:$0x1] =	stream.indirect.gather [hbm4b:s4+s20], $0x80, s3, s20, $0xb8;
	[tilespmem:$0x1FF00] =	vst v63  }
0xaa: {  	_ =	swait.ge [sflag:s6], $0x4000  }
0xab: {  	[sflag:s6] =	ssyncset.done $0x0  }
0xac: {  	[sflag:s6] =	ssyncadd.s32 $0xFFFFC000  }
0xad: {  	p0 =	sne.s32 s10, $0x4B0;
	_ =	swait.ge [sflag:s7], $0x80  }
.Ltmp1:
0xae: {  	[sflag:s7] =	ssyncset.done $0x0;
	(pc) =	sbr.rel @p0 .LBB2_4-.Ltmp1, $4  }
0xaf: {  	[sflag:s7] =	ssyncadd.s32 $0xFFFFFF80  }
0xb0: {  	[spmem:s2] =	stream.indirect.scatter.add.f32 [tilespmem:s31], [sflag:$0xA], $0x80, s24, s20, $0xb8;
	[tilespmem:$0x1FF00] =	vst v63  }
0xb1: {  	s13 =	smov.u32 s10;
	s10 =	sadd.s32 $0x30, s10;
	_ =	swait.ge [sflag:s18], $0x4000  }
0xb2: {  	s9 =	smov.u32 s13;
	s11 =	rddreg [dreg:$0x3];
	[sflag:s18] =	ssyncset.done $0x0  }
0xb3: {  	s10 =	sadd.s32 s9, s11  }
0xb4: {  	[sflag:s18] =	ssyncadd.s32 $0xFFFFC000;
	s9 =	sadd.s32 s9, s16;
	s11 =	sadd.s32 $0x20, s10  }
0xb5: {  	[tilespmem:s23], [sflag:$0x6] =	stream.linear.gather [hbm4b:s11+s3], $0x80, $0x38;
	[tilespmem:$0x1FF00] =	vst v63  }
0xb6: {  	s12 =	sadd.s32 $0x20, s9  }
0xb7: {  	[tilespmem:s24], [sflag:$0x9] =	stream.linear.gather [hbm4b:s12+s3], $0x80, $0x38;
	[tilespmem:$0x1FF00] =	vst v63  }
0xb8: {  	_ =	swait.ge [sflag:s25], $0x80  }
0xb9: {  	[sflag:s25] =	ssyncset.done $0x0  }
0xba: {  	[sflag:s25] =	ssyncadd.s32 $0xFFFFFF80  }
0xbb: {  	[tilespmem:s26], [sflag:$0x2] =	stream.indirect.gather [hbm4b:s4+s20], $0x80, s20, s20, $0xb8;
	[tilespmem:$0x1FF00] =	vst v63  }
0xbc: {  	_ =	swait.ge [sflag:s28], $0x4000  }
0xbd: {  	[sflag:s28] =	ssyncset.done $0x0  }
0xbe: {  	[sflag:s28] =	ssyncadd.s32 $0xFFFFC000  }
0xbf: {  	_ =	swait.ge [sflag:s29], $0x80  }
0xc0: {  	[sflag:s29] =	ssyncset.done $0x0  }
0xc1: {  	[sflag:s29] =	ssyncadd.s32 $0xFFFFFF80  }
0xc2: {  	[spmem:s2] =	stream.indirect.scatter.add.f32 [tilespmem:s17], [sflag:$0xA], $0x80, s19, s20, $0xb8;
	[tilespmem:$0x1FF00] =	vst v63  }
0xc3: {  	_ =	swait.ge [sflag:s18], $0x4000  }
0xc4: {  	[sflag:s18] =	ssyncset.done $0x0  }
0xc5: {  	s13 =	sadd.s32 $0x30, s10;
	[sflag:s18] =	ssyncadd.s32 $0xFFFFC000  }
0xc6: {  	[tilespmem:s3], [sflag:$0x4] =	stream.linear.gather [hbm4b:s13+s3], $0x80, $0x38;
	[tilespmem:$0x1FF00] =	vst v63  }
0xc7: {  	s14 =	sadd.s32 $0x30, s9  }
0xc8: {  	[tilespmem:s19], [sflag:$0x7] =	stream.linear.gather [hbm4b:s14+s3], $0x80, $0x38;
	[tilespmem:$0x1FF00] =	vst v63  }
0xc9: {  	_ =	swait.ge [sflag:s30], $0x80  }
0xca: {  	[sflag:s30] =	ssyncset.done $0x0  }
0xcb: {  	[sflag:s30] =	ssyncadd.s32 $0xFFFFFF80  }
0xcc: {  	[tilespmem:s31], [sflag:$0x3] =	stream.indirect.gather [hbm4b:s4+s20], $0x80, s23, s20, $0xb8;
	[tilespmem:$0x1FF00] =	vst v63  }
0xcd: {  	_ =	swait.ge [sflag:s0], $0x4000  }
0xce: {  	[sflag:s0] =	ssyncset.done $0x0  }
0xcf: {  	[sflag:s0] =	ssyncadd.s32 $0xFFFFC000  }
0xd0: {  	_ =	swait.ge [sflag:s1], $0x80  }
0xd1: {  	[sflag:s1] =	ssyncset.done $0x0  }
0xd2: {  	[sflag:s1] =	ssyncadd.s32 $0xFFFFFF80  }
0xd3: {  	[spmem:s2] =	stream.indirect.scatter.add.f32 [tilespmem:s26], [sflag:$0xA], $0x80, s21, s20, $0xb8;
	[tilespmem:$0x1FF00] =	vst v63  }
0xd4: {  	_ =	swait.ge [sflag:s18], $0x4000  }
0xd5: {  	[sflag:s18] =	ssyncset.done $0x0  }
0xd6: {  	s10 =	sadd.s32 $0x40, s10;
	[sflag:s18] =	ssyncadd.s32 $0xFFFFC000  }
0xd7: {  	[tilespmem:s20], [sflag:$0x5] =	stream.linear.gather [hbm4b:s10+s3], $0x80, $0x38;
	[tilespmem:$0x1FF00] =	vst v63  }
0xd8: {  	s9 =	sadd.s32 $0x40, s9  }
0xd9: {  	[tilespmem:s21], [sflag:$0x8] =	stream.linear.gather [hbm4b:s9+s3], $0x80, $0x38;
	[tilespmem:$0x1FF00] =	vst v63  }
0xda: {  	_ =	swait.ge [sflag:s22], $0x80  }
0xdb: {  	[sflag:s22] =	ssyncset.done $0x0  }
0xdc: {  	[sflag:s22] =	ssyncadd.s32 $0xFFFFFF80  }
0xdd: {  	[tilespmem:s17], [sflag:$0x1] =	stream.indirect.gather [hbm4b:s4+s20], $0x80, s3, s20, $0xb8;
	[tilespmem:$0x1FF00] =	vst v63  }
0xde: {  	_ =	swait.ge [sflag:s6], $0x4000  }
0xdf: {  	[sflag:s6] =	ssyncset.done $0x0  }
0xe0: {  	[sflag:s6] =	ssyncadd.s32 $0xFFFFC000  }
0xe1: {  	_ =	swait.ge [sflag:s7], $0x80  }
0xe2: {  	[sflag:s7] =	ssyncset.done $0x0  }
0xe3: {  	[sflag:s7] =	ssyncadd.s32 $0xFFFFFF80  }
0xe4: {  	[spmem:s2] =	stream.indirect.scatter.add.f32 [tilespmem:s31], [sflag:$0xA], $0x80, s24, s20, $0xb8;
	[tilespmem:$0x1FF00] =	vst v63  }
0xe5: {  	_ =	swait.ge [sflag:s18], $0x4000  }
0xe6: {  	[sflag:s18] =	ssyncset.done $0x0  }
0xe7: {  	[sflag:s18] =	ssyncadd.s32 $0xFFFFC000  }
0xe8: {  	_ =	swait.ge [sflag:s25], $0x80  }
0xe9: {  	[sflag:s25] =	ssyncset.done $0x0  }
0xea: {  	[sflag:s25] =	ssyncadd.s32 $0xFFFFFF80  }
0xeb: {  	[tilespmem:s26], [sflag:$0x2] =	stream.indirect.gather [hbm4b:s4+s20], $0x80, s20, s20, $0xb8;
	[tilespmem:$0x1FF00] =	vst v63  }
0xec: {  	_ =	swait.ge [sflag:s28], $0x4000  }
0xed: {  	[sflag:s28] =	ssyncset.done $0x0  }
0xee: {  	[sflag:s28] =	ssyncadd.s32 $0xFFFFC000  }
0xef: {  	_ =	swait.ge [sflag:s29], $0x80  }
0xf0: {  	[sflag:s29] =	ssyncset.done $0x0  }
0xf1: {  	[sflag:s29] =	ssyncadd.s32 $0xFFFFFF80  }
0xf2: {  	[spmem:s2] =	stream.indirect.scatter.add.f32 [tilespmem:s17], [sflag:$0xA], $0x80, s19, s20, $0xb8;
	[tilespmem:$0x1FF00] =	vst v63  }
0xf3: {  	_ =	swait.ge [sflag:s18], $0x4000  }
0xf4: {  	[sflag:s18] =	ssyncset.done $0x0  }
0xf5: {  	[sflag:s18] =	ssyncadd.s32 $0xFFFFC000  }
0xf6: {  	_ =	swait.ge [sflag:s0], $0x4000  }
0xf7: {  	[sflag:s0] =	ssyncset.done $0x0  }
0xf8: {  	[sflag:s0] =	ssyncadd.s32 $0xFFFFC000  }
0xf9: {  	_ =	swait.ge [sflag:s1], $0x80  }
0xfa: {  	[sflag:s1] =	ssyncset.done $0x0  }
0xfb: {  	[sflag:s1] =	ssyncadd.s32 $0xFFFFFF80  }
0xfc: {  	[spmem:s2] =	stream.indirect.scatter.add.f32 [tilespmem:s26], [sflag:$0xA], $0x80, s21, s20, $0xb8;
	[tilespmem:$0x1FF00] =	vst v63  }
0xfd: {  	_ =	swait.ge [sflag:s18], $0x4000  }
0xfe: {  	s8 =	sadd.s32 $0x1, s8;
	[sflag:s18] =	ssyncset.done $0x0  }
0xff: {  	p0 =	sne.s32 s8, s15;
	s12 =	stileid.u32;
	[sflag:s18] =	ssyncadd.s32 $0xFFFFC000  }
0x100: {  	s13 =	sshrl.u32 s5, $0x3;
	s9 =	sshll.u32 s12, $0x6;
	[bflag:$0x0] =	sbarrier.arrive $0xFFFF  }
.Ltmp2:
0x101: {  	s9 =	sor.u32 $0x1C0A, s9;
	s14 =	rddreg [dreg:$0xc];
	(pc) =	sbr.rel @p0 .LBB2_1-.Ltmp2, $4  }
0x102: {  	[hbm:s14], [sflag:s9] =	dma.local [spmem:s13], $0x2780  }
0x103: {  	_ =	swait.ge [sflag:s18], $0x2780  }
0x104: {  	[sflag:s18] =	ssyncset.done $0x0  }
0x105: {  	[sflag:s18] =	ssyncadd.s32 $0xFFFFD880  }
0x106: {  	_ =	sfence.sel $0x180000  }
0x107: {  	[bflag:$0x0] =	sbarrier.arrive $0xFFFF  }
0x108: {  	_ =	strace $0x9000004A  }
0x109: {  	s0 =	stileid.u32;
	[bflag:$0x2] =	sbarrier.arrive $0xFFFF  }
0x10a: {  	p0 =	sne.s32 s0, $0x0;
	s0 =	rddreg [dreg:$0x2]  }
0x10b: {  	s0 =	sadd.s32 @!p0 $0x100000, s0  }
0x10c: {  	[sflag:s0] =	ssyncadd.tile.s32 @!p0 $0x1;
	_ =	shalt  }
.Lfunc_end2:
_tile_overlayer_lowered:
.L_overlay_start_2:
0x10d: {  	(tag) =	ssettag $0x2  }
0x10e: {  	s0 =	rddreg [dreg:$0x0];
	s2 =	stileid.u32  }
0x10f: {  	s1 =	rddreg [dreg:$0x1];
	p0 =	sne.s32 s2, $0x0  }
0x110: {  	s3 =	rddreg [dreg:$0x2];
	[bflag:$0x3] =	sbarrier.arrive $0xFFFF;
	s2 =	simm.s32 @!p0 $0x1C0A  }
0x111: {  	[timem:s3], [sflag:s2] =	dma.local @!p0 [hbm:s0], s1  }
0x112: {  	s0 =	simm.s32 @!p0 $0xA  }
0x113: {  	_ =	swait.ge @!p0 [sflag:s0], s1  }
0x114: {  	s1 =	ssub.s32 @!p0 $0x0, s1;
	[sflag:s0] =	ssyncset.done @!p0 $0x0  }
0x115: {  	[sflag:s0] =	ssyncadd.s32 @!p0 s1  }
0x116: {  	[bflag:$0x3] =	sbarrier.arrive $0xFFFF  }
0x117: {  	_ =	shalt  }

// kernel: kernel.7.cloned.1.call-start
scs
__scs_entry_jumppad:
0x0: {  	(pc) =	sbr.rel $0x88, $3  }
0x1: {  	(tag) =	ssettag $0x0;
	lr =	simm.s32 $0x1  }
0x2: {  	[smem:$0x3F90] =	sst lr;
	_ =	strace $0xD0000000  }
0x3: {  	_ = 	snop  }
0x4: {  	_ = 	snop  }
0x5: {  	_ = 	snop  }
0x6: {  	_ = 	snop  }
0x7: {  	_ = 	snop  }
__scs_overlays_trampoline_lowered:
0x8: {  	[smem:$0x3F9F] =	sst s0  }
0x9: {  	[smem:$0x3FA0] =	sst s1  }
0xa: {  	[smem:$0x3FA1] =	sst s2  }
0xb: {  	[smem:$0x3FA2] =	sst s3  }
0xc: {  	[smem:$0x3FA3] =	sst s4  }
0xd: {  	[smem:$0x3FA4] =	sst s5  }
0xe: {  	[smem:$0x3FA5] =	sst s6  }
0xf: {  	[smem:$0x3FA6] =	sst s7  }
0x10: {  	[smem:$0x3FA7] =	sst s8  }
0x11: {  	[smem:$0x3FA8] =	sst s9;
	s0 =	simm.s32 @!p0 $0x0  }
0x12: {  	s1 =	sld [smem:$0x3F8E];
	s0 =	simm.s32 @p0 $0x1  }
0x13: {  	[smem:$0x3FA9] =	sst s0;
	s0 =	simm.s32 @!p1 $0x0  }
0x14: {  	s2 =	sld [smem:$0x3F8D];
	s0 =	simm.s32 @p1 $0x1  }
0x15: {  	[smem:$0x3FAA] =	sst s0;
	s0 =	simm.s32 @!p2 $0x0  }
0x16: {  	s3 =	sld [smem:$0x3FDB];
	s0 =	simm.s32 @p2 $0x1  }
0x17: {  	s4 =	simm.s32 $0x1BF5;
	[smem:$0x3FAC] =	sst s0  }
0x18: {  	s0 =	sld [smem:$0x3F8F];
	_ =	swait.ge [sflag:s4], $0x0  }
0x19: {  	s7 =	sld [smem:$0x3F90]  }
0x1a: {  	s8 =	sadd.s32 $0xFFFFE003, lr  }
0x1b: {  	s9 =	sadd.s32 $0xFFFFFEF7, lr;
	s5 =	simm.s32 $0xFFFFFFFF;
	p2 =	slt.u32 s8, $0xFFFFF086  }
0x1c: {  	p1 =	slt.u32 s9, $0xF7A;
	s5 =	simm.s32 @!p2 $0x0  }
0x1d: {  	s5 =	simm.s32 @p1 $0x1;
	p0 =	seq.s32 s7, s2  }
0x1e: {  	s7 =	smul.u32 @!p0 $0xF7A, s2;
	p2 =	seq.s32 @!p0 s5, $0x0  }
0x1f: {  	s9 =	smul.u32 $0xF7A, s1;
	s8 =	simm.s32 @!p0 $0x1BF5;
	p2 =	por !p2, p0  }
0x20: {  	[sflag:s8] =	ssyncset.s32 @!p0 $0xFFFFF086;
	s6 =	sadd.s32 @!p0 s3, s7;
	s7 =	simm.s32 @!p0 $0x108  }
0x21: {  	s3 =	sadd.s32 s3, s9;
	s6 =	sadd.s32 @!p0 $0x88, s6;
	s7 =	simm.s32 @p2 $0x1082  }
0x22: {  	[simem:s7], [sflag:s8] =	dma.local @!p0 [hbm:s6], $0xF7A  }
0x23: {  	s9 =	sor.u32 $0xD0000000, s2;
	s6 =	simm.s32 $0x108;
	_ =	swait.ge @!p0 [sflag:s8], $0x0  }
0x24: {  	s3 =	sadd.s32 $0x88, s3;
	s6 =	simm.s32 @!p1 $0x1082;
	[sflag:s4] =	ssyncset.s32 $0xFFFFF086  }
0x25: {  	[simem:s6], [sflag:s4] =	dma.local [hbm:s3], $0xF7A  }
0x26: {  	[smem:$0x3F90] =	sst s1;
	(tag) =	ssettag s2;
	_ =	strace s9  }
0x27: {  	s1 =	sld [smem:$0x3FA0]  }
0x28: {  	s2 =	sld [smem:$0x3FA1]  }
0x29: {  	s4 =	sld [smem:$0x3FA3]  }
0x2a: {  	p0 =	seq.s32 s5, $0x0;
	s5 =	sld [smem:$0x3FA4]  }
0x2b: {  	s6 =	sld [smem:$0x3FA5]  }
0x2c: {  	s7 =	sld [smem:$0x3FA6]  }
0x2d: {  	s3 =	simm.s32 $0x108;
	s8 =	sld [smem:$0x3FA7]  }
0x2e: {  	s3 =	simm.s32 @!p0 $0x1082;
	s9 =	sld [smem:$0x3FA8]  }
0x2f: {  	lr =	sadd.s32 s0, s3;
	s0 =	sld [smem:$0x3F9F]  }
0x30: {  	s3 =	sld [smem:$0x3FA2]  }
0x31: {  	[smem:$0x3FAB] =	sst s10  }
0x32: {  	s10 =	sld [smem:$0x3FA9];
	_ =	sdelay $0x3  }
0x33: {  	p0 =	seq.s32 s10, $0x1;
	s10 =	sld [smem:$0x3FAB];
	_ =	sdelay $0x3  }
0x34: {  	[smem:$0x3FAB] =	sst s10  }
0x35: {  	s10 =	sld [smem:$0x3FAA];
	_ =	sdelay $0x3  }
0x36: {  	p1 =	seq.s32 s10, $0x1;
	s10 =	sld [smem:$0x3FAB];
	_ =	sdelay $0x3  }
0x37: {  	[smem:$0x3FAB] =	sst s10  }
0x38: {  	s10 =	sld [smem:$0x3FAC]  }
0x39: {  	_ = 	snop;
	(pc) =	sbr.ind lr, $3  }
0x3a: {  	_ = 	snop  }
0x3b: {  	_ = 	snop  }
0x3c: {  	p2 =	seq.s32 s10, $0x1;
	s10 =	sld [smem:$0x3FAB]  }
0x3d: {  	_ =	shalt  }
0x3e: {  	_ =	shalt  }
0x3f: {  	_ =	shalt  }
0x40: {  	_ =	shalt  }
0x41: {  	_ =	shalt  }
0x42: {  	_ =	shalt  }
0x43: {  	_ =	shalt  }
0x44: {  	_ =	shalt  }
0x45: {  	_ =	shalt  }
0x46: {  	_ =	shalt  }
0x47: {  	_ =	shalt  }
0x48: {  	_ =	shalt  }
0x49: {  	_ =	shalt  }
0x4a: {  	_ =	shalt  }
0x4b: {  	_ =	shalt  }
0x4c: {  	_ =	shalt  }
0x4d: {  	_ =	shalt  }
0x4e: {  	_ =	shalt  }
0x4f: {  	_ =	shalt  }
0x50: {  	_ =	shalt  }
0x51: {  	_ =	shalt  }
0x52: {  	_ =	shalt  }
0x53: {  	_ =	shalt  }
0x54: {  	_ =	shalt  }
0x55: {  	_ =	shalt  }
0x56: {  	_ =	shalt  }
0x57: {  	_ =	shalt  }
0x58: {  	_ =	shalt  }
0x59: {  	_ =	shalt  }
0x5a: {  	_ =	shalt  }
0x5b: {  	_ =	shalt  }
0x5c: {  	_ =	shalt  }
0x5d: {  	_ =	shalt  }
0x5e: {  	_ =	shalt  }
0x5f: {  	_ =	shalt  }
0x60: {  	_ =	shalt  }
0x61: {  	_ =	shalt  }
0x62: {  	_ =	shalt  }
0x63: {  	_ =	shalt  }
0x64: {  	_ =	shalt  }
0x65: {  	_ =	shalt  }
0x66: {  	_ =	shalt  }
0x67: {  	_ =	shalt  }
0x68: {  	_ =	shalt  }
0x69: {  	_ =	shalt  }
0x6a: {  	_ =	shalt  }
0x6b: {  	_ =	shalt  }
0x6c: {  	_ =	shalt  }
0x6d: {  	_ =	shalt  }
0x6e: {  	_ =	shalt  }
0x6f: {  	_ =	shalt  }
0x70: {  	_ =	shalt  }
0x71: {  	_ =	shalt  }
0x72: {  	_ =	shalt  }
0x73: {  	_ =	shalt  }
0x74: {  	_ =	shalt  }
0x75: {  	_ =	shalt  }
0x76: {  	_ =	shalt  }
0x77: {  	_ =	shalt  }
0x78: {  	_ =	shalt  }
0x79: {  	_ =	shalt  }
0x7a: {  	_ =	shalt  }
0x7b: {  	_ =	shalt  }
0x7c: {  	_ =	shalt  }
0x7d: {  	_ =	shalt  }
0x7e: {  	_ =	shalt  }
0x7f: {  	_ =	shalt  }
0x80: {  	_ =	shalt  }
0x81: {  	_ =	shalt  }
0x82: {  	_ =	shalt  }
0x83: {  	_ =	shalt  }
0x84: {  	_ =	shalt  }
0x85: {  	_ =	shalt  }
0x86: {  	_ =	shalt  }
0x87: {  	_ =	shalt  }
.Lfunc_end0:
.L_simem_size_0:
called_computation_lowered:
.L_overlay_start_0:
0x88: {  	s2 =	sld [smem:$0x3FD9]  }
0x89: {  	s3 =	sld [smem:$0x3FFE];
	_ =	sdelay $0x1  }
0x8a: {  	s1 =	srdreg.scid  }
0x8b: {  	s0 =	sand.u32 $0x1, s1  }
0x8c: {  	s16 =	sshll.u32 s0, $0xA;
	s2 =	sadd.s32 s3, s2  }
0x8d: {  	s2 =	sadd.s32 s2, s16  }
0x8e: {  	[smem:$0x3FB7] =	sst s2  }
0x8f: {  	_ = 	snop  }
0x90: {  	(tm) =	ssettm $0x1  }
0x91: {  	s17 =	sld [smem:$0x3FFB];
	_ =	sdelay $0x3  }
0x92: {  	_ =	strace s17  }
0x93: {  	s2 =	sld [smem:$0x3FFC];
	_ =	sdelay $0x3  }
0x94: {  	_ =	strace s2  }
0x95: {  	s2 =	sld [smem:$0x3FFD];
	_ =	sdelay $0x3  }
0x96: {  	_ =	strace s2  }
0x97: {  	_ =	strace $0x8FFFFFFF  }
0x98: {  	s18 =	sld [smem:$0x3FDB];
	_ =	sdelay $0x1  }
0x99: {  	s19 =	simm.s32 $_scs_section_size  }
0x9a: {  	s4 =	simm.s32 $_size__tile_overlayer_lowered;
	s5 =	simm.s32 $_tile_overlayer_lowered  }
0x9b: {  	s22 =	simm.s32 $0x1BFF;
	s21 =	sshll.u32 s5, $0x1;
	s2 =	sadd.s32 s19, s18  }
0x9c: {  	s6 =	simm.s32 $0x0;
	s20 =	sshll.u32 s4, $0x1;
	s4 =	sadd.s32 s21, s2  }
0x9d: {  	[timem:s6], [sflag:s22] =	dma.local [hbm:s4], s20  }
0x9e: {  	_ =	swait.ge [sflag:s22], s20  }
0x9f: {  	s3 =	ssub.s32 $0x0, s20;
	[sflag:s22] =	ssyncset.done $0x0  }
0xa0: {  	[sflag:s22] =	ssyncadd.s32 s3;
	_ =	sdelay $0x1  }
0xa1: {  	s23 =	simm.s32 $0x1B8B  }
0xa2: {  	_ =	swait.ge [sflag:s23], $0x1  }
0xa3: {  	[sflag:s23] =	ssyncset.done $0x0  }
0xa4: {  	s25 =	simm.s32 $0x1B8E;
	s24 =	sld [smem:$0x3FFE];
	[sflag:s23] =	ssyncadd.s32 $0xFFFFFFFF  }
0xa5: {  	s26 =	simm.s32 $execute0_lowered;
	[smem:$0x3FD2] =	sst s25  }
0xa6: {  	s4 =	sshll.u32 s26, $0x1;
	_ =	strace $0x80000046;
	[dreg:$0x1] =	wrdreg $0xFFFFFFFF  }
0xa7: {  	s28 =	simm.s32 $_size_execute0_lowered;
	s2 =	sadd.s32 s2, s4;
	[dreg:$0x0] =	wrdreg $0x0  }
0xa8: {  	s4 =	sshll.u32 s28, $0x1;
	[dreg:$0x2] =	wrdreg s2  }
0xa9: {  	[dreg:$0x3] =	wrdreg s4  }
0xaa: {  	[dreg:$0x4] =	wrdreg $0xC0  }
0xab: {  	_ =	task [dreg:s6], $0x5FFFF  }
0xac: {  	[dreg:$0x1] =	wrdreg $0xFFFFFFFF  }
0xad: {  	[dreg:$0x0] =	wrdreg $0x60  }
0xae: {  	[dreg:$0x2] =	wrdreg s24  }
0xaf: {  	[dreg:$0x3] =	wrdreg $0xC3000  }
0xb0: {  	[dreg:$0x4] =	wrdreg $0x9  }
0xb1: {  	_ =	task.clear_ibuf [dreg:s6], $0x5FFFF;
	_ =	strace $0x90000046  }
0xb2: {  	s29 =	simm.s32 $0x9;
	_ =	strace $0x80000048  }
0xb3: {  	_ =	swait.ge [sflag:s29], $0x1  }
0xb4: {  	[sflag:s29] =	ssyncadd.s32 $0xFFFFFFFF  }
0xb5: {  	_ =	strace $0x90000048  }
0xb6: {  	_ =	sfence  }
0xb7: {  	s30 =	sld [smem:$0x0];
	_ =	sdelay $0x2  }
0xb8: {  	s31 =	sshll.u32 s1, $0xD;
	s1 =	sshrl.u32 s1, $0x2  }
0xb9: {  	s3 =	sand.u32 $0x4000, s31;
	s1 =	sadd.s32 s1, s30  }
0xba: {  	s0 =	sor.u32 s3, s0;
	s1 =	sshll.u32 s1, $0x11  }
0xbb: {  	s0 =	sor.u32 s1, s0  }
0xbc: {  	s0 =	sadd.s32 $0x8F2B, s0  }
0xbd: {  	[sflag:s0] =	ssyncadd.remote.s32 $0x1  }
0xbe: {  	_ =	sfence.sel $0xFFFF  }
0xbf: {  	[dreg:$0x0] =	wrdreg $0xFFFFFFFF;
	(pc) =	sbr.abs _section_cstart, $3  }
0xc0: {  	[dreg:$0x1] =	wrdreg $0xFFFFFFFF  }
0xc1: {  	_ =	task.clear_ibuf [dreg:s6], $0x2FFFF;
	_ =	strace $0x9FFFFFFF  }
0xc2: {  	(tm) =	ssettm $0x7FFFFFFF  }
0xc3: {  	_ =	shalt  }
tec
execute0_lowered:
.L_overlay_start_1:
0x0: {  	(tag) =	ssettag $0x1  }
0x1: {  	s0 =	rddreg [dreg:$0x0];
	s1 =	srdreg.scid  }
0x2: {  	s2 =	rddreg [dreg:$0x1];
	s12 =	stileid.u32;
	s3 =	simm.s32 $0x0  }
0x3: {  	s28 =	simm.s32 $0x1;
	s29 =	simm.s32 $0x7;
	s5 =	smul.u32 $0x13C00, s12  }
0x4: {  	s30 =	simm.s32 $0x6;
	s31 =	simm.s32 $0x8300;
	s6 =	smul.u32 $0x4F000, s12  }
0x5: {  	s1 =	sand.u32 $0x1, s1;
	[smem:$0x7FF] =	sst s3;
	s25 =	smul.u32 $0x500, s12  }
0x6: {  	s7 =	sadd.s32 $0x2600, s0;
	s8 =	sadd.s32 $0xC600, s0;
	s4 =	smul.u32 $0x140000, s1  }
0x7: {  	_ =	strace $0x80000047;
	s9 =	ssub.s32 $0x2, s1;
	s15 =	sshll.u32 s1, $0x4  }
0x8: {  	s1 =	smul.u32 $0x5000, s1;
	s6 =	sshrl.u32 s6, $0x2;
	s10 =	sshrl.u32 s9, $0x1  }
0x9: {  	s11 =	sor.u32 s12, s15;
	s5 =	sadd.s32 s5, s4;
	s4 =	sadd.s32 $0x16600, s0  }
0xa: {  	s16 =	ssub.s32 s9, s10;
	s18 =	smul.u32 $0x500, s11;
	s26 =	sadd.s32 s1, s7  }
0xb: {  	s1 =	sadd.s32 s1, s8;
	s5 =	sshrl.u32 s5, $0x3;
	s15 =	smax.u32 s16, $0x1  }
0xc: {  	s16 =	sadd.s32 s25, s1;
	s0 =	sadd.s32 s5, s0;
	s22 =	sadd.s32 s7, s18  }
0xd: {  	s5 =	sadd.s32 s6, s2;
	s9 =	sadd.s32 s8, s18;
	[dreg:$0x8] =	wrdreg s22  }
0xe: {  	s1 =	simm.s32 $0x8;
	s17 =	sadd.s32 $0x4000, s5;
	[dreg:$0x9] =	wrdreg s9  }
0xf: {  	s23 =	sor.u32 $0x10, s18;
	s19 =	sadd.s32 $0x8000, s5;
	[dreg:$0x4] =	wrdreg s17  }
0x10: {  	s18 =	simm.s32 $0xA;
	s20 =	sadd.s32 $0xC000, s5;
	[dreg:$0x5] =	wrdreg s19  }
0x11: {  	s6 =	simm.s32 $0x3;
	s21 =	sadd.s32 $0x10000, s5;
	[dreg:$0x6] =	wrdreg s20  }
0x12: {  	s24 =	sadd.s32 s7, s23;
	s10 =	sadd.s32 s8, s23;
	[dreg:$0x7] =	wrdreg s21  }
0x13: {  	s0 =	sadd.s32 $0x3E600, s0;
	s22 =	simm.s32 $0x4;
	[dreg:$0xa] =	wrdreg s24  }
0x14: {  	s23 =	simm.s32 $0x100;
	s7 =	simm.s32 $0x9;
	[dreg:$0xb] =	wrdreg s10  }
0x15: {  	s8 =	simm.s32 $0x0;
	[dreg:$0xc] =	wrdreg s0;
	s0 =	sadd.s32 s25, s26  }
0x16: {  	s17 =	simm.s32 $0x300;
	s19 =	simm.s32 $0x180;
	s20 =	simm.s32 $0x80  }
0x17: {  	s21 =	simm.s32 $0x200;
	s24 =	simm.s32 $0x280;
	s25 =	simm.s32 $0x5  }
0x18: {  	v0 =	vimm.f32 $0.0e+00;
	s26 =	simm.s32 $0x4300;
	[dreg:$0x3] =	wrdreg s0;
	s0 =	simm.s32 $0x2  }
.LBB2_1:
0x19: {  	s9 =	simm.s32 $0x0;
	s10 =	simm.s32 $0x200  }
.LBB2_2:
0x1a: {  	p0 =	sne.s32 s10, $0xFE00;
	[tilespmem:s9+$0x370] =	vst v0  }
0x1b: {  	[tilespmem:s9+$0x300] =	vst v0  }
0x1c: {  	[tilespmem:s9+$0x310] =	vst v0  }
.Ltmp0:
0x1d: {  	[tilespmem:s9+$0x320] =	vst v0;
	(pc) =	sbr.rel @p0 .LBB2_2-.Ltmp0, $4  }
0x1e: {  	[tilespmem:s9+$0x330] =	vst v0  }
0x1f: {  	[tilespmem:s9+$0x340] =	vst v0  }
0x20: {  	[tilespmem:s9+$0x350] =	vst v0  }
0x21: {  	[tilespmem:s9+$0x360] =	vst v0;
	s9 =	sshra.s32 s10, $0x2;
	s10 =	sadd.s32 $0x200, s10  }
0x22: {  	[tilespmem:s9+$0x370] =	vst v0  }
0x23: {  	[tilespmem:s9+$0x300] =	vst v0  }
0x24: {  	[tilespmem:s9+$0x310] =	vst v0  }
0x25: {  	[tilespmem:s9+$0x320] =	vst v0  }
0x26: {  	[tilespmem:s9+$0x330] =	vst v0  }
0x27: {  	[tilespmem:s9+$0x340] =	vst v0  }
0x28: {  	[tilespmem:s9+$0x350] =	vst v0  }
0x29: {  	[tilespmem:s9+$0x360] =	vst v0  }
0x2a: {  	[spmem:s5] =	stream.linear.scatter [tilespmem:s17], [sflag:$0xA], $0x4000, $0x38;
	[tilespmem:$0x1FF00] =	vst v63  }
0x2b: {  	_ =	swait.ge [sflag:s18], $0x4000  }
0x2c: {  	[sflag:s18] =	ssyncset.done $0x0  }
0x2d: {  	s10 =	rddreg [dreg:$0x4];
	[sflag:s18] =	ssyncadd.s32 $0xFFFFC000  }
0x2e: {  	[spmem:s10] =	stream.linear.scatter [tilespmem:s17], [sflag:$0xA], $0x4000, $0x38;
	[tilespmem:$0x1FF00] =	vst v63  }
0x2f: {  	_ =	swait.ge [sflag:s18], $0x4000  }
0x30: {  	[sflag:s18] =	ssyncset.done $0x0  }
0x31: {  	s11 =	rddreg [dreg:$0x5];
	[sflag:s18] =	ssyncadd.s32 $0xFFFFC000  }
0x32: {  	[spmem:s11] =	stream.linear.scatter [tilespmem:s17], [sflag:$0xA], $0x4000, $0x38;
	[tilespmem:$0x1FF00] =	vst v63  }
0x33: {  	_ =	swait.ge [sflag:s18], $0x4000  }
0x34: {  	[sflag:s18] =	ssyncset.done $0x0  }
0x35: {  	s12 =	rddreg [dreg:$0x6];
	[sflag:s18] =	ssyncadd.s32 $0xFFFFC000  }
0x36: {  	[spmem:s12] =	stream.linear.scatter [tilespmem:s17], [sflag:$0xA], $0x4000, $0x38;
	[tilespmem:$0x1FF00] =	vst v63  }
0x37: {  	_ =	swait.ge [sflag:s18], $0x4000  }
0x38: {  	[sflag:s18] =	ssyncset.done $0x0  }
0x39: {  	s13 =	rddreg [dreg:$0x7];
	[sflag:s18] =	ssyncadd.s32 $0xFFFFC000  }
0x3a: {  	[spmem:s13] =	stream.linear.scatter [tilespmem:s17], [sflag:$0xA], $0x3C00, $0x38;
	[tilespmem:$0x1FF00] =	vst v63  }
0x3b: {  	_ =	swait.ge [sflag:s18], $0x3C00  }
0x3c: {  	[sflag:s18] =	ssyncset.done $0x0  }
0x3d: {  	[sflag:s18] =	ssyncadd.s32 $0xFFFFC400  }
0x3e: {  	[bflag:$0x0] =	sbarrier.arrive $0xFFFF  }
0x3f: {  	s9 =	simm.s32 $0x0;
	s10 =	rddreg [dreg:$0x8]  }
0x40: {  	[tilespmem:s9], [sflag:$0x4] =	stream.linear.gather [hbm4b:s10+s9], $0x80, $0x38;
	[tilespmem:$0x1FF00] =	vst v63  }
0x41: {  	s14 =	rddreg [dreg:$0x9]  }
0x42: {  	[tilespmem:s19], [sflag:$0x7] =	stream.linear.gather [hbm4b:s14+s9], $0x80, $0x38;
	[tilespmem:$0x1FF00] =	vst v63  }
0x43: {  	s11 =	rddreg [dreg:$0xa]  }
0x44: {  	[tilespmem:s20], [sflag:$0x5] =	stream.linear.gather [hbm4b:s11+s9], $0x80, $0x38;
	[tilespmem:$0x1FF00] =	vst v63  }
0x45: {  	s12 =	rddreg [dreg:$0xb]  }
0x46: {  	[tilespmem:s21], [sflag:$0x8] =	stream.linear.gather [hbm4b:s12+s9], $0x80, $0x38;
	[tilespmem:$0x1FF00] =	vst v63  }
0x47: {  	_ =	swait.ge [sflag:s22], $0x80  }
0x48: {  	[sflag:s22] =	ssyncset.done $0x0  }
0x49: {  	s13 =	rddreg [dreg:$0x3];
	[sflag:s22] =	ssyncadd.s32 $0xFFFFFF80  }
0x4a: {  	[tilespmem:s17], [sflag:$0x1] =	stream.indirect.gather [hbm4b:s4+s20], $0x80, s9, s20, $0xb8;
	[tilespmem:$0x1FF00] =	vst v63  }
0x4b: {  	s9 =	sadd.s32 $0x0, s13  }
0x4c: {  	s11 =	sadd.s32 $0x0, s16;
	s10 =	sadd.s32 $0x20, s9  }
0x4d: {  	[tilespmem:s23], [sflag:$0x6] =	stream.linear.gather [hbm4b:s10+s3], $0x80, $0x38;
	[tilespmem:$0x1FF00] =	vst v63  }
0x4e: {  	s14 =	sadd.s32 $0x20, s11  }
0x4f: {  	[tilespmem:s24], [sflag:$0x9] =	stream.linear.gather [hbm4b:s14+s3], $0x80, $0x38;
	[tilespmem:$0x1FF00] =	vst v63  }
0x50: {  	_ =	swait.ge [sflag:s25], $0x80  }
0x51: {  	[sflag:s25] =	ssyncset.done $0x0  }
0x52: {  	[sflag:s25] =	ssyncadd.s32 $0xFFFFFF80  }
0x53: {  	[tilespmem:s26], [sflag:$0x2] =	stream.indirect.gather [hbm4b:s4+s20], $0x80, s20, s20, $0xb8;
	[tilespmem:$0x1FF00] =	vst v63  }
0x54: {  	_ =	swait.ge [sflag:s28], $0x4000  }
0x55: {  	[sflag:s28] =	ssyncset.done $0x0  }
0x56: {  	[sflag:s28] =	ssyncadd.s32 $0xFFFFC000  }
0x57: {  	_ =	swait.ge [sflag:s29], $0x80  }
0x58: {  	[sflag:s29] =	ssyncset.done $0x0  }
0x59: {  	[sflag:s29] =	ssyncadd.s32 $0xFFFFFF80  }
0x5a: {  	[spmem:s2] =	stream.indirect.scatter.add.f32 [tilespmem:s17], [sflag:$0xA], $0x80, s19, s20, $0xb8;
	[tilespmem:$0x1FF00] =	vst v63  }
0x5b: {  	_ =	swait.ge [sflag:s18], $0x4000  }
0x5c: {  	[sflag:s18] =	ssyncset.done $0x0  }
0x5d: {  	s12 =	sadd.s32 $0x30, s9;
	[sflag:s18] =	ssyncadd.s32 $0xFFFFC000  }
0x5e: {  	[tilespmem:s3], [sflag:$0x4] =	stream.linear.gather [hbm4b:s12+s3], $0x80, $0x38;
	[tilespmem:$0x1FF00] =	vst v63  }
0x5f: {  	s13 =	sadd.s32 $0x30, s11  }
0x60: {  	[tilespmem:s19], [sflag:$0x7] =	stream.linear.gather [hbm4b:s13+s3], $0x80, $0x38;
	[tilespmem:$0x1FF00] =	vst v63  }
0x61: {  	_ =	swait.ge [sflag:s30], $0x80  }
0x62: {  	[sflag:s30] =	ssyncset.done $0x0  }
0x63: {  	[sflag:s30] =	ssyncadd.s32 $0xFFFFFF80  }
0x64: {  	[tilespmem:s31], [sflag:$0x3] =	stream.indirect.gather [hbm4b:s4+s20], $0x80, s23, s20, $0xb8;
	[tilespmem:$0x1FF00] =	vst v63  }
0x65: {  	_ =	swait.ge [sflag:s0], $0x4000  }
0x66: {  	[sflag:s0] =	ssyncset.done $0x0  }
0x67: {  	[sflag:s0] =	ssyncadd.s32 $0xFFFFC000  }
0x68: {  	_ =	swait.ge [sflag:s1], $0x80  }
0x69: {  	[sflag:s1] =	ssyncset.done $0x0  }
0x6a: {  	[sflag:s1] =	ssyncadd.s32 $0xFFFFFF80  }
0x6b: {  	[spmem:s2] =	stream.indirect.scatter.add.f32 [tilespmem:s26], [sflag:$0xA], $0x80, s21, s20, $0xb8;
	[tilespmem:$0x1FF00] =	vst v63  }
0x6c: {  	_ =	swait.ge [sflag:s18], $0x4000  }
0x6d: {  	[sflag:s18] =	ssyncset.done $0x0  }
0x6e: {  	s9 =	sadd.s32 $0x40, s9;
	[sflag:s18] =	ssyncadd.s32 $0xFFFFC000  }
0x6f: {  	[tilespmem:s20], [sflag:$0x5] =	stream.linear.gather [hbm4b:s9+s3], $0x80, $0x38;
	[tilespmem:$0x1FF00] =	vst v63  }
0x70: {  	s14 =	sadd.s32 $0x40, s11  }
0x71: {  	[tilespmem:s21], [sflag:$0x8] =	stream.linear.gather [hbm4b:s14+s3], $0x80, $0x38;
	[tilespmem:$0x1FF00] =	vst v63  }
0x72: {  	_ =	swait.ge [sflag:s22], $0x80  }
0x73: {  	[sflag:s22] =	ssyncset.done $0x0  }
0x74: {  	[sflag:s22] =	ssyncadd.s32 $0xFFFFFF80  }
0x75: {  	[tilespmem:s17], [sflag:$0x1] =	stream.indirect.gather [hbm4b:s4+s20], $0x80, s3, s20, $0xb8;
	[tilespmem:$0x1FF00] =	vst v63  }
0x76: {  	_ =	swait.ge [sflag:s6], $0x4000  }
0x77: {  	[sflag:s6] =	ssyncset.done $0x0  }
0x78: {  	[sflag:s6] =	ssyncadd.s32 $0xFFFFC000  }
0x79: {  	_ =	swait.ge [sflag:s7], $0x80  }
0x7a: {  	[sflag:s7] =	ssyncset.done $0x0  }
0x7b: {  	[sflag:s7] =	ssyncadd.s32 $0xFFFFFF80  }
0x7c: {  	[spmem:s2] =	stream.indirect.scatter.add.f32 [tilespmem:s31], [sflag:$0xA], $0x80, s24, s20, $0xb8;
	[tilespmem:$0x1FF00] =	vst v63  }
0x7d: {  	s10 =	simm.s32 $0x60;
	_ =	swait.ge [sflag:s18], $0x4000  }
0x7e: {  	s9 =	simm.s32 $0x30;
	s11 =	rddreg [dreg:$0x3];
	[sflag:s18] =	ssyncset.done $0x0  }
.LBB2_4:
0x7f: {  	s12 =	sadd.s32 s9, s11  }
0x80: {  	[sflag:s18] =	ssyncadd.s32 $0xFFFFC000;
	s11 =	sadd.s32 s9, s16;
	s14 =	sadd.s32 $0x20, s12  }
0x81: {  	[tilespmem:s23], [sflag:$0x6] =	stream.linear.gather [hbm4b:s14+s3], $0x80, $0x38;
	[tilespmem:$0x1FF00] =	vst v63  }
0x82: {  	s14 =	sadd.s32 $0x20, s11  }
0x83: {  	[tilespmem:s24], [sflag:$0x9] =	stream.linear.gather [hbm4b:s14+s3], $0x80, $0x38;
	[tilespmem:$0x1FF00] =	vst v63  }
0x84: {  	_ =	swait.ge [sflag:s25], $0x80  }
0x85: {  	[sflag:s25] =	ssyncset.done $0x0  }
0x86: {  	[sflag:s25] =	ssyncadd.s32 $0xFFFFFF80  }
0x87: {  	[tilespmem:s26], [sflag:$0x2] =	stream.indirect.gather [hbm4b:s4+s20], $0x80, s20, s20, $0xb8;
	[tilespmem:$0x1FF00] =	vst v63  }
0x88: {  	_ =	swait.ge [sflag:s28], $0x4000  }
0x89: {  	[sflag:s28] =	ssyncset.done $0x0  }
0x8a: {  	[sflag:s28] =	ssyncadd.s32 $0xFFFFC000  }
0x8b: {  	_ =	swait.ge [sflag:s29], $0x80  }
0x8c: {  	[sflag:s29] =	ssyncset.done $0x0  }
0x8d: {  	[sflag:s29] =	ssyncadd.s32 $0xFFFFFF80  }
0x8e: {  	[spmem:s2] =	stream.indirect.scatter.add.f32 [tilespmem:s17], [sflag:$0xA], $0x80, s19, s20, $0xb8;
	[tilespmem:$0x1FF00] =	vst v63  }
0x8f: {  	_ =	swait.ge [sflag:s18], $0x4000  }
0x90: {  	[sflag:s18] =	ssyncset.done $0x0  }
0x91: {  	s14 =	sadd.s32 $0x30, s12;
	[sflag:s18] =	ssyncadd.s32 $0xFFFFC000  }
0x92: {  	[tilespmem:s3], [sflag:$0x4] =	stream.linear.gather [hbm4b:s14+s3], $0x80, $0x38;
	[tilespmem:$0x1FF00] =	vst v63  }
0x93: {  	s14 =	sadd.s32 $0x30, s11  }
0x94: {  	[tilespmem:s19], [sflag:$0x7] =	stream.linear.gather [hbm4b:s14+s3], $0x80, $0x38;
	[tilespmem:$0x1FF00] =	vst v63  }
0x95: {  	_ =	swait.ge [sflag:s30], $0x80  }
0x96: {  	[sflag:s30] =	ssyncset.done $0x0  }
0x97: {  	[sflag:s30] =	ssyncadd.s32 $0xFFFFFF80  }
0x98: {  	[tilespmem:s31], [sflag:$0x3] =	stream.indirect.gather [hbm4b:s4+s20], $0x80, s23, s20, $0xb8;
	[tilespmem:$0x1FF00] =	vst v63  }
0x99: {  	_ =	swait.ge [sflag:s0], $0x4000  }
0x9a: {  	[sflag:s0] =	ssyncset.done $0x0  }
0x9b: {  	[sflag:s0] =	ssyncadd.s32 $0xFFFFC000  }
0x9c: {  	_ =	swait.ge [sflag:s1], $0x80  }
0x9d: {  	[sflag:s1] =	ssyncset.done $0x0  }
0x9e: {  	[sflag:s1] =	ssyncadd.s32 $0xFFFFFF80  }
0x9f: {  	[spmem:s2] =	stream.indirect.scatter.add.f32 [tilespmem:s26], [sflag:$0xA], $0x80, s21, s20, $0xb8;
	[tilespmem:$0x1FF00] =	vst v63  }
0xa0: {  	_ =	swait.ge [sflag:s18], $0x4000  }
0xa1: {  	[sflag:s18] =	ssyncset.done $0x0  }
0xa2: {  	s12 =	sadd.s32 $0x40, s12;
	[sflag:s18] =	ssyncadd.s32 $0xFFFFC000  }
0xa3: {  	[tilespmem:s20], [sflag:$0x5] =	stream.linear.gather [hbm4b:s12+s3], $0x80, $0x38;
	[tilespmem:$0x1FF00] =	vst v63  }
0xa4: {  	s11 =	sadd.s32 $0x40, s11  }
0xa5: {  	[tilespmem:s21], [sflag:$0x8] =	stream.linear.gather [hbm4b:s11+s3], $0x80, $0x38;
	[tilespmem:$0x1FF00] =	vst v63  }
0xa6: {  	_ =	swait.ge [sflag:s22], $0x80  }
0xa7: {  	[sflag:s22] =	ssyncset.done $0x0  }
0xa8: {  	[sflag:s22] =	ssyncadd.s32 $0xFFFFFF80  }
0xa9: {  	[tilespmem:s17], [sflag:$0x1] =	stream.indirect.gather [hbm4b:s4+s20], $0x80, s3, s20, $0xb8;
	[tilespmem:$0x1FF00] =	vst v63  }
0xaa: {  	_ =	swait.ge [sflag:s6], $0x4000  }
0xab: {  	[sflag:s6] =	ssyncset.done $0x0  }
0xac: {  	[sflag:s6] =	ssyncadd.s32 $0xFFFFC000  }
0xad: {  	p0 =	sne.s32 s10, $0x4B0;
	_ =	swait.ge [sflag:s7], $0x80  }
.Ltmp1:
0xae: {  	[sflag:s7] =	ssyncset.done $0x0;
	(pc) =	sbr.rel @p0 .LBB2_4-.Ltmp1, $4  }
0xaf: {  	[sflag:s7] =	ssyncadd.s32 $0xFFFFFF80  }
0xb0: {  	[spmem:s2] =	stream.indirect.scatter.add.f32 [tilespmem:s31], [sflag:$0xA], $0x80, s24, s20, $0xb8;
	[tilespmem:$0x1FF00] =	vst v63  }
0xb1: {  	s13 =	smov.u32 s10;
	s10 =	sadd.s32 $0x30, s10;
	_ =	swait.ge [sflag:s18], $0x4000  }
0xb2: {  	s9 =	smov.u32 s13;
	s11 =	rddreg [dreg:$0x3];
	[sflag:s18] =	ssyncset.done $0x0  }
0xb3: {  	s10 =	sadd.s32 s9, s11  }
0xb4: {  	[sflag:s18] =	ssyncadd.s32 $0xFFFFC000;
	s9 =	sadd.s32 s9, s16;
	s11 =	sadd.s32 $0x20, s10  }
0xb5: {  	[tilespmem:s23], [sflag:$0x6] =	stream.linear.gather [hbm4b:s11+s3], $0x80, $0x38;
	[tilespmem:$0x1FF00] =	vst v63  }
0xb6: {  	s12 =	sadd.s32 $0x20, s9  }
0xb7: {  	[tilespmem:s24], [sflag:$0x9] =	stream.linear.gather [hbm4b:s12+s3], $0x80, $0x38;
	[tilespmem:$0x1FF00] =	vst v63  }
0xb8: {  	_ =	swait.ge [sflag:s25], $0x80  }
0xb9: {  	[sflag:s25] =	ssyncset.done $0x0  }
0xba: {  	[sflag:s25] =	ssyncadd.s32 $0xFFFFFF80  }
0xbb: {  	[tilespmem:s26], [sflag:$0x2] =	stream.indirect.gather [hbm4b:s4+s20], $0x80, s20, s20, $0xb8;
	[tilespmem:$0x1FF00] =	vst v63  }
0xbc: {  	_ =	swait.ge [sflag:s28], $0x4000  }
0xbd: {  	[sflag:s28] =	ssyncset.done $0x0  }
0xbe: {  	[sflag:s28] =	ssyncadd.s32 $0xFFFFC000  }
0xbf: {  	_ =	swait.ge [sflag:s29], $0x80  }
0xc0: {  	[sflag:s29] =	ssyncset.done $0x0  }
0xc1: {  	[sflag:s29] =	ssyncadd.s32 $0xFFFFFF80  }
0xc2: {  	[spmem:s2] =	stream.indirect.scatter.add.f32 [tilespmem:s17], [sflag:$0xA], $0x80, s19, s20, $0xb8;
	[tilespmem:$0x1FF00] =	vst v63  }
0xc3: {  	_ =	swait.ge [sflag:s18], $0x4000  }
0xc4: {  	[sflag:s18] =	ssyncset.done $0x0  }
0xc5: {  	s13 =	sadd.s32 $0x30, s10;
	[sflag:s18] =	ssyncadd.s32 $0xFFFFC000  }
0xc6: {  	[tilespmem:s3], [sflag:$0x4] =	stream.linear.gather [hbm4b:s13+s3], $0x80, $0x38;
	[tilespmem:$0x1FF00] =	vst v63  }
0xc7: {  	s14 =	sadd.s32 $0x30, s9  }
0xc8: {  	[tilespmem:s19], [sflag:$0x7] =	stream.linear.gather [hbm4b:s14+s3], $0x80, $0x38;
	[tilespmem:$0x1FF00] =	vst v63  }
0xc9: {  	_ =	swait.ge [sflag:s30], $0x80  }
0xca: {  	[sflag:s30] =	ssyncset.done $0x0  }
0xcb: {  	[sflag:s30] =	ssyncadd.s32 $0xFFFFFF80  }
0xcc: {  	[tilespmem:s31], [sflag:$0x3] =	stream.indirect.gather [hbm4b:s4+s20], $0x80, s23, s20, $0xb8;
	[tilespmem:$0x1FF00] =	vst v63  }
0xcd: {  	_ =	swait.ge [sflag:s0], $0x4000  }
0xce: {  	[sflag:s0] =	ssyncset.done $0x0  }
0xcf: {  	[sflag:s0] =	ssyncadd.s32 $0xFFFFC000  }
0xd0: {  	_ =	swait.ge [sflag:s1], $0x80  }
0xd1: {  	[sflag:s1] =	ssyncset.done $0x0  }
0xd2: {  	[sflag:s1] =	ssyncadd.s32 $0xFFFFFF80  }
0xd3: {  	[spmem:s2] =	stream.indirect.scatter.add.f32 [tilespmem:s26], [sflag:$0xA], $0x80, s21, s20, $0xb8;
	[tilespmem:$0x1FF00] =	vst v63  }
0xd4: {  	_ =	swait.ge [sflag:s18], $0x4000  }
0xd5: {  	[sflag:s18] =	ssyncset.done $0x0  }
0xd6: {  	s10 =	sadd.s32 $0x40, s10;
	[sflag:s18] =	ssyncadd.s32 $0xFFFFC000  }
0xd7: {  	[tilespmem:s20], [sflag:$0x5] =	stream.linear.gather [hbm4b:s10+s3], $0x80, $0x38;
	[tilespmem:$0x1FF00] =	vst v63  }
0xd8: {  	s9 =	sadd.s32 $0x40, s9  }
0xd9: {  	[tilespmem:s21], [sflag:$0x8] =	stream.linear.gather [hbm4b:s9+s3], $0x80, $0x38;
	[tilespmem:$0x1FF00] =	vst v63  }
0xda: {  	_ =	swait.ge [sflag:s22], $0x80  }
0xdb: {  	[sflag:s22] =	ssyncset.done $0x0  }
0xdc: {  	[sflag:s22] =	ssyncadd.s32 $0xFFFFFF80  }
0xdd: {  	[tilespmem:s17], [sflag:$0x1] =	stream.indirect.gather [hbm4b:s4+s20], $0x80, s3, s20, $0xb8;
	[tilespmem:$0x1FF00] =	vst v63  }
0xde: {  	_ =	swait.ge [sflag:s6], $0x4000  }
0xdf: {  	[sflag:s6] =	ssyncset.done $0x0  }
0xe0: {  	[sflag:s6] =	ssyncadd.s32 $0xFFFFC000  }
0xe1: {  	_ =	swait.ge [sflag:s7], $0x80  }
0xe2: {  	[sflag:s7] =	ssyncset.done $0x0  }
0xe3: {  	[sflag:s7] =	ssyncadd.s32 $0xFFFFFF80  }
0xe4: {  	[spmem:s2] =	stream.indirect.scatter.add.f32 [tilespmem:s31], [sflag:$0xA], $0x80, s24, s20, $0xb8;
	[tilespmem:$0x1FF00] =	vst v63  }
0xe5: {  	_ =	swait.ge [sflag:s18], $0x4000  }
0xe6: {  	[sflag:s18] =	ssyncset.done $0x0  }
0xe7: {  	[sflag:s18] =	ssyncadd.s32 $0xFFFFC000  }
0xe8: {  	_ =	swait.ge [sflag:s25], $0x80  }
0xe9: {  	[sflag:s25] =	ssyncset.done $0x0  }
0xea: {  	[sflag:s25] =	ssyncadd.s32 $0xFFFFFF80  }
0xeb: {  	[tilespmem:s26], [sflag:$0x2] =	stream.indirect.gather [hbm4b:s4+s20], $0x80, s20, s20, $0xb8;
	[tilespmem:$0x1FF00] =	vst v63  }
0xec: {  	_ =	swait.ge [sflag:s28], $0x4000  }
0xed: {  	[sflag:s28] =	ssyncset.done $0x0  }
0xee: {  	[sflag:s28] =	ssyncadd.s32 $0xFFFFC000  }
0xef: {  	_ =	swait.ge [sflag:s29], $0x80  }
0xf0: {  	[sflag:s29] =	ssyncset.done $0x0  }
0xf1: {  	[sflag:s29] =	ssyncadd.s32 $0xFFFFFF80  }
0xf2: {  	[spmem:s2] =	stream.indirect.scatter.add.f32 [tilespmem:s17], [sflag:$0xA], $0x80, s19, s20, $0xb8;
	[tilespmem:$0x1FF00] =	vst v63  }
0xf3: {  	_ =	swait.ge [sflag:s18], $0x4000  }
0xf4: {  	[sflag:s18] =	ssyncset.done $0x0  }
0xf5: {  	[sflag:s18] =	ssyncadd.s32 $0xFFFFC000  }
0xf6: {  	_ =	swait.ge [sflag:s0], $0x4000  }
0xf7: {  	[sflag:s0] =	ssyncset.done $0x0  }
0xf8: {  	[sflag:s0] =	ssyncadd.s32 $0xFFFFC000  }
0xf9: {  	_ =	swait.ge [sflag:s1], $0x80  }
0xfa: {  	[sflag:s1] =	ssyncset.done $0x0  }
0xfb: {  	[sflag:s1] =	ssyncadd.s32 $0xFFFFFF80  }
0xfc: {  	[spmem:s2] =	stream.indirect.scatter.add.f32 [tilespmem:s26], [sflag:$0xA], $0x80, s21, s20, $0xb8;
	[tilespmem:$0x1FF00] =	vst v63  }
0xfd: {  	_ =	swait.ge [sflag:s18], $0x4000  }
0xfe: {  	s8 =	sadd.s32 $0x1, s8;
	[sflag:s18] =	ssyncset.done $0x0  }
0xff: {  	p0 =	sne.s32 s8, s15;
	s12 =	stileid.u32;
	[sflag:s18] =	ssyncadd.s32 $0xFFFFC000  }
0x100: {  	s13 =	sshrl.u32 s5, $0x3;
	s9 =	sshll.u32 s12, $0x6;
	[bflag:$0x0] =	sbarrier.arrive $0xFFFF  }
.Ltmp2:
0x101: {  	s9 =	sor.u32 $0x1C0A, s9;
	s14 =	rddreg [dreg:$0xc];
	(pc) =	sbr.rel @p0 .LBB2_1-.Ltmp2, $4  }
0x102: {  	[hbm:s14], [sflag:s9] =	dma.local [spmem:s13], $0x2780  }
0x103: {  	_ =	swait.ge [sflag:s18], $0x2780  }
0x104: {  	[sflag:s18] =	ssyncset.done $0x0  }
0x105: {  	[sflag:s18] =	ssyncadd.s32 $0xFFFFD880  }
0x106: {  	_ =	sfence.sel $0x180000  }
0x107: {  	[bflag:$0x0] =	sbarrier.arrive $0xFFFF  }
0x108: {  	_ =	strace $0x90000047  }
0x109: {  	s0 =	stileid.u32;
	[bflag:$0x2] =	sbarrier.arrive $0xFFFF  }
0x10a: {  	p0 =	sne.s32 s0, $0x0;
	s0 =	rddreg [dreg:$0x2]  }
0x10b: {  	s0 =	sadd.s32 @!p0 $0x100000, s0  }
0x10c: {  	[sflag:s0] =	ssyncadd.tile.s32 @!p0 $0x1;
	_ =	shalt  }
.Lfunc_end2:
_tile_overlayer_lowered:
.L_overlay_start_2:
0x10d: {  	(tag) =	ssettag $0x2  }
0x10e: {  	s0 =	rddreg [dreg:$0x0];
	s2 =	stileid.u32  }
0x10f: {  	s1 =	rddreg [dreg:$0x1];
	p0 =	sne.s32 s2, $0x0  }
0x110: {  	s3 =	rddreg [dreg:$0x2];
	[bflag:$0x3] =	sbarrier.arrive $0xFFFF;
	s2 =	simm.s32 @!p0 $0x1C0A  }
0x111: {  	[timem:s3], [sflag:s2] =	dma.local @!p0 [hbm:s0], s1  }
0x112: {  	s0 =	simm.s32 @!p0 $0xA  }
0x113: {  	_ =	swait.ge @!p0 [sflag:s0], s1  }
0x114: {  	s1 =	ssub.s32 @!p0 $0x0, s1;
	[sflag:s0] =	ssyncset.done @!p0 $0x0  }
0x115: {  	[sflag:s0] =	ssyncadd.s32 @!p0 s1  }
0x116: {  	[bflag:$0x3] =	sbarrier.arrive $0xFFFF  }
0x117: {  	_ =	shalt  }

</sc_bundles>
